<compile_context>
chip_gen: v7x
topology: tpu7x:2x2x1
jax: 0.10.2.dev20260603
libtpu: 0.0.44.dev20260713+nightly
codegen_flags: <defaults>
</compile_context>

<pallas_src>
import functools

import jax
import jax.numpy as jnp
from jax import lax
from jax.experimental import pallas as pl
from jax.experimental.pallas import tpu as pltpu
from jax.experimental.pallas import tpu_sc as plsc

_NCOLS = 26
_NINT = 13
_VOCAB = 1_000_000
_BATCH = 16384

_NC, _NS, _L = 2, 16, 16
_NW = _NC * _NS
_ROWS_W = _BATCH // _NW
_PER_W = _ROWS_W * _NINT
_TOTAL = _BATCH * _NINT
_CHUNK = 128
_NCHUNK = _ROWS_W // _CHUNK

_W = 131072
_G = -(-_VOCAB // _W)
_RPAD = _G * _W


def _detile_body(in_ref, *out_refs):
    for j in range(_NINT):
        out_refs[j][...] = in_ref[j, :]


_detile = pl.pallas_call(
    _detile_body,
    grid=(_G,),
    in_specs=[pl.BlockSpec((_NINT, _W), lambda g: (0, g))],
    out_specs=[pl.BlockSpec((_W,), lambda g: (g,)) for _ in range(_NINT)],
    out_shape=[jax.ShapeDtypeStruct((_RPAD,), jnp.float32)
               for _ in range(_NINT)],
    compiler_params=pltpu.CompilerParams(
        dimension_semantics=("parallel",),
    ),
)

_mesh = plsc.VectorSubcoreMesh(core_axis_name="c", subcore_axis_name="s")


@functools.partial(
    pl.kernel,
    out_type=jax.ShapeDtypeStruct((_TOTAL,), jnp.float32),
    mesh=_mesh,
    scratch_types=[
        pltpu.VMEM((_PER_W,), jnp.float32),
        pltpu.VMEM((_PER_W,), jnp.int32),
        pltpu.VMEM((_PER_W,), jnp.float32),
        pltpu.SemaphoreType.DMA,
        pltpu.SemaphoreType.DMA,
    ],
)
def _sc_lookup(*refs):
    tables = refs[:_NINT]
    vals_hbm, out_hbm, v_vmem, idx_vmem, g_vmem, sem_io, sem_g = refs[_NINT:]
    wid = lax.axis_index("s") * _NC + lax.axis_index("c")
    rbase = wid * _ROWS_W

    @pl.loop(0, _NINT)
    def _(j):
        pltpu.async_copy(
            vals_hbm.at[pl.ds(j * _BATCH + rbase, _ROWS_W)],
            v_vmem.at[pl.ds(j * _ROWS_W, _ROWS_W)],
            sem_io,
        )

    pltpu.make_async_copy(vals_hbm.at[pl.ds(0, _PER_W)], v_vmem, sem_io).wait()

    @pl.loop(0, _PER_W, step=_L)
    def _(o):
        idx_vmem[pl.ds(o, _L)] = v_vmem[pl.ds(o, _L)].astype(jnp.int32)

    for j in range(_NINT):
        @pl.loop(0, _NCHUNK)
        def _(q, j=j):
            o = j * _ROWS_W + q * _CHUNK
            pltpu.async_copy(
                tables[j].at[idx_vmem.at[pl.ds(o, _CHUNK)]],
                g_vmem.at[pl.ds(o, _CHUNK)],
                sem_g,
            )

    pltpu.make_async_copy(vals_hbm.at[pl.ds(0, _PER_W)], g_vmem, sem_g).wait()

    @pl.loop(0, _NINT)
    def _(j):
        pltpu.async_copy(
            g_vmem.at[pl.ds(j * _ROWS_W, _ROWS_W)],
            out_hbm.at[pl.ds(j * _BATCH + rbase, _ROWS_W)],
            sem_io,
        )

    pltpu.make_async_copy(g_vmem, out_hbm.at[pl.ds(0, _PER_W)], sem_io).wait()


def kernel(inputs, lookup_tables):
    tables = _detile(lookup_tables)
    int_vals = inputs[:, 0::2].T.reshape(-1)
    looked_t = _sc_lookup(*tables, int_vals)
    looked = looked_t.reshape(_NINT, _BATCH).T
    num_vals = inputs[:, 1::2]
    num_vals = jnp.where(jnp.isnan(num_vals), 0.0, num_vals)
    return jnp.stack([looked, num_vals], axis=2).reshape(_BATCH, _NCOLS)

# --- scband reference (transcript-rebuilt; emitter-appended) ---
"""Pipeline reference for scband-multi-category-encoding-62603443306634 (READ-ONLY COPY).

The authoritative reference and input builder live on the scoring server;
editing this copy changes nothing except your own understanding.
"""

import jax, jax.numpy as jnp
import numpy as np

ENCODING = ['int', 'none'] * 13  # 26 columns, alternating categorical / numerical
VOCAB = 1000000
BATCH = 16384
N_INT = sum(1 for e in ENCODING if e == 'int')


def setup_inputs(seed: int = 0) -> dict:
    key = jax.random.key(seed)
    k1, k2 = jax.random.split(key)
    # Mixed-type structured data: categorical columns carry raw integer ids
    # (stand-in for string hash ids), numerical columns carry raw values.
    raw = jax.random.randint(k1, (BATCH, len(ENCODING)), 0, VOCAB)
    inputs = raw.astype(jnp.float32)
    # One StringLookup vocabulary-mapping table per categorical column:
    # maps raw id -> vocabulary index (stored as float32 since the layer
    # casts lookup outputs to float32 anyway).
    lookup_tables = jax.random.randint(k2, (N_INT, VOCAB), 0, VOCAB).astype(jnp.float32)
    return {"inputs": inputs, "lookup_tables": lookup_tables}


def reference(inputs, lookup_tables):
    # Faithful translation of MultiCategoryEncoding.call:
    # split input into per-column slices; 'none' columns -> cast_to_float32 +
    # NaN imputation; 'int' columns -> StringLookup (modeled as a gather into
    # the per-column vocabulary mapping table) cast to float32; concat.
    output_nodes = []
    j = 0
    for i, enc in enumerate(ENCODING):
        col = inputs[:, i]
        if enc == 'none':
            number = col.astype(jnp.float32)
            imputed = jnp.where(jnp.isnan(number), jnp.zeros_like(number), number)
            output_nodes.append(imputed[:, None])
        else:
            idx = col.astype(jnp.int32)
            looked = jnp.take(lookup_tables[j], idx, axis=0)
            output_nodes.append(looked.astype(jnp.float32)[:, None])
            j += 1
    return jnp.concatenate(output_nodes, axis=-1)

if __name__ == "__main__":
    import jax
    _d = setup_inputs()
    print(jax.jit(kernel)(*tuple(_d.values())))

</pallas_src>

<mosaic_0001>
#map = affine_map<(d0, d1) -> (0)>
module attributes {stable_mosaic.version = 14 : i64} {
  func.func @_sc_lookup(%arg0: i32, %arg1: i32, %arg2: memref<1048576xf32, #tpu.memory_space<hbm>>, %arg3: memref<1048576xf32, #tpu.memory_space<hbm>>, %arg4: memref<1048576xf32, #tpu.memory_space<hbm>>, %arg5: memref<1048576xf32, #tpu.memory_space<hbm>>, %arg6: memref<1048576xf32, #tpu.memory_space<hbm>>, %arg7: memref<1048576xf32, #tpu.memory_space<hbm>>, %arg8: memref<1048576xf32, #tpu.memory_space<hbm>>, %arg9: memref<1048576xf32, #tpu.memory_space<hbm>>, %arg10: memref<1048576xf32, #tpu.memory_space<hbm>>, %arg11: memref<1048576xf32, #tpu.memory_space<hbm>>, %arg12: memref<1048576xf32, #tpu.memory_space<hbm>>, %arg13: memref<1048576xf32, #tpu.memory_space<hbm>>, %arg14: memref<1048576xf32, #tpu.memory_space<hbm>>, %arg15: memref<212992xf32, #tpu.memory_space<hbm>>, %arg16: memref<212992xf32, #tpu.memory_space<hbm>>, %arg17: memref<6656xf32, #tpu.memory_space<vmem>>, %arg18: memref<6656xi32, #tpu.memory_space<vmem>>, %arg19: memref<6656xf32, #tpu.memory_space<vmem>>, %arg20: memref<!tpu.dma_semaphore, #tpu.memory_space<semaphore_mem>>, %arg21: memref<!tpu.dma_semaphore, #tpu.memory_space<semaphore_mem>>) attributes {dimension_semantics = [#tpu.dimension_semantics<core_parallel>, #tpu.dimension_semantics<subcore_parallel>], iteration_bounds = array<i64: 2, 16>, scalar_prefetch = 0 : i64, scratch_operands = 5 : i64, tpu.core_type = #tpu.core_type<sc_vector_subcore>, window_params = [{transform_indices = #map}, {transform_indices = #map}, {transform_indices = #map}, {transform_indices = #map}, {transform_indices = #map}, {transform_indices = #map}, {transform_indices = #map}, {transform_indices = #map}, {transform_indices = #map}, {transform_indices = #map}, {transform_indices = #map}, {transform_indices = #map}, {transform_indices = #map}, {transform_indices = #map}, {transform_indices = #map}]} {
    %mul3A = arith.constant 2 : i32
    %mul3A_0 = arith.muli %arg1, %mul3A : i32
    %add3A = arith.addi %mul3A_0, %arg0 : i32
    %mul3A_1 = arith.constant 512 : i32
    %mul3A_2 = arith.muli %add3A, %mul3A_1 : i32
    %scan3A = arith.constant 0 : i32
    %scan3A_3 = arith.constant 13 : i32
    %scan3A_4 = arith.addi %scan3A, %scan3A_3 : i32
    %scan3A_5 = arith.constant 1 : i32
    scf.for %scan3A_93 = %scan3A to %scan3A_4 step %scan3A_5  : i32 {
      %mul3A_94 = arith.constant 1 : i32
      %mul3A_95 = arith.muli %scan3A_93, %mul3A_94 : i32
      %add3A_96 = arith.constant 0 : i32
      %add3A_97 = arith.addi %add3A_96, %mul3A_95 : i32
      %mul3A_98 = arith.constant 16384 : i32
      %mul3A_99 = arith.muli %add3A_97, %mul3A_98 : i32
      %add3A_100 = arith.addi %mul3A_99, %mul3A_2 : i32
      %mul3A_101 = arith.constant 512 : i32
      %mul3A_102 = arith.muli %add3A_97, %mul3A_101 : i32
      %dma_start3A = tpu.memref_slice %arg17[%mul3A_102] : memref<6656xf32, #tpu.memory_space<vmem>> -> memref<512xf32, #tpu.memory_space<vmem>>
      %dma_start3A_103 = tpu.memref_slice %arg15[%add3A_100] : memref<212992xf32, #tpu.memory_space<hbm>> -> memref<512xf32, #tpu.memory_space<hbm>>
      %dma_start3A_104 = tpu.memref_slice %arg17[%mul3A_102] : memref<6656xf32, #tpu.memory_space<vmem>> -> memref<512xf32, #tpu.memory_space<vmem>>
      %dma_start3A_105 = tpu.memref_slice %arg15[%add3A_100] : memref<212992xf32, #tpu.memory_space<hbm>> -> memref<512xf32, #tpu.memory_space<hbm>>
      tpu.enqueue_dma source(%dma_start3A_105 : memref<512xf32, #tpu.memory_space<hbm>>) target(%dma_start3A_104 : memref<512xf32, #tpu.memory_space<vmem>>) target_semaphore(%arg20 : memref<!tpu.dma_semaphore, #tpu.memory_space<semaphore_mem>>)
    }
    %scan3A_6 = arith.constant 13 : i32
    %dma_wait3A = arith.constant 0 : i32
    %dma_wait3A_7 = tpu.memref_slice %arg15[%dma_wait3A] : memref<212992xf32, #tpu.memory_space<hbm>> -> memref<6656xf32, #tpu.memory_space<hbm>>
    %dma_wait3A_8 = arith.constant 0 : i32
    %dma_wait3A_9 = tpu.memref_slice %arg15[%dma_wait3A_8] : memref<212992xf32, #tpu.memory_space<hbm>> -> memref<6656xf32, #tpu.memory_space<hbm>>
    tpu.wait_dma2 semaphore(%arg20 : memref<!tpu.dma_semaphore, #tpu.memory_space<semaphore_mem>>) src(%dma_wait3A_9 : memref<6656xf32, #tpu.memory_space<hbm>>) dst(%arg17 : memref<6656xf32, #tpu.memory_space<vmem>>)
    %scan3A_10 = arith.constant 0 : i32
    %scan3A_11 = arith.constant 416 : i32
    %scan3A_12 = arith.addi %scan3A_10, %scan3A_11 : i32
    %scan3A_13 = arith.constant 1 : i32
    scf.for %scan3A_93 = %scan3A_10 to %scan3A_12 step %scan3A_13  : i32 {
      %mul3A_94 = arith.constant 16 : i32
      %mul3A_95 = arith.muli %scan3A_93, %mul3A_94 : i32
      %add3A_96 = arith.constant 0 : i32
      %add3A_97 = arith.addi %add3A_96, %mul3A_95 : i32
      %get3A = arith.index_cast %add3A_97 : i32 to index
      %get3A_98 = tpu.vector_load %arg17[%get3A] {strides = array<i32>} : memref<6656xf32, #tpu.memory_space<vmem>>, vector<16xf32>,
      %get3A_99 = vector.shape_cast %get3A_98 : vector<16xf32> to vector<16xf32>
      %convert_element_type3A = arith.fptosi %get3A_99 : vector<16xf32> to vector<16xi32>
      %swap3A = arith.index_cast %add3A_97 : i32 to index
      %swap3A_100 = tpu.vector_load %arg18[%swap3A] {strides = array<i32>} : memref<6656xi32, #tpu.memory_space<vmem>>, vector<16xi32>,
      %swap3A_101 = vector.shape_cast %swap3A_100 : vector<16xi32> to vector<16xi32>
      %swap3A_102 = vector.shape_cast %convert_element_type3A : vector<16xi32> to vector<16xi32>
      tpu.vector_store %arg18[%swap3A], %swap3A_102 {strides = array<i32>} : memref<6656xi32, #tpu.memory_space<vmem>>, vector<16xi32>,
    }
    %scan3A_14 = arith.constant 416 : i32
    %scan3A_15 = arith.constant 0 : i32
    %scan3A_16 = arith.constant 4 : i32
    %scan3A_17 = arith.addi %scan3A_15, %scan3A_16 : i32
    %scan3A_18 = arith.constant 1 : i32
    scf.for %scan3A_93 = %scan3A_15 to %scan3A_17 step %scan3A_18  : i32 {
      %mul3A_94 = arith.constant 1 : i32
      %mul3A_95 = arith.muli %scan3A_93, %mul3A_94 : i32
      %add3A_96 = arith.constant 0 : i32
      %add3A_97 = arith.addi %add3A_96, %mul3A_95 : i32
      %mul3A_98 = arith.constant 128 : i32
      %mul3A_99 = arith.muli %add3A_97, %mul3A_98 : i32
      %add3A_100 = arith.constant 0 : i32
      %add3A_101 = arith.addi %add3A_100, %mul3A_99 : i32
      %dma_start3A = tpu.memref_slice %arg19[%add3A_101] : memref<6656xf32, #tpu.memory_space<vmem>> -> memref<128xf32, #tpu.memory_space<vmem>>
      %dma_start3A_102 = tpu.memref_slice %arg18[%add3A_101] : memref<6656xi32, #tpu.memory_space<vmem>> -> memref<128xi32, #tpu.memory_space<vmem>>
      %dma_start3A_103 = arith.constant 0 : i32
      %dma_start3A_104 = tpu.memref_slice %arg2[%dma_start3A_103] : memref<1048576xf32, #tpu.memory_space<hbm>> -> memref<1048576xf32, #tpu.memory_space<hbm>>
      tpu.enqueue_indirect_dma source(%dma_start3A_104 : memref<1048576xf32, #tpu.memory_space<hbm>>) target(%dma_start3A : memref<128xf32, #tpu.memory_space<vmem>>) offsets(%dma_start3A_102 : memref<128xi32, #tpu.memory_space<vmem>>) semaphore(%arg21 : memref<!tpu.dma_semaphore, #tpu.memory_space<semaphore_mem>>)
    }
    %scan3A_19 = arith.constant 4 : i32
    %scan3A_20 = arith.constant 0 : i32
    %scan3A_21 = arith.constant 4 : i32
    %scan3A_22 = arith.addi %scan3A_20, %scan3A_21 : i32
    %scan3A_23 = arith.constant 1 : i32
    scf.for %scan3A_93 = %scan3A_20 to %scan3A_22 step %scan3A_23  : i32 {
      %mul3A_94 = arith.constant 1 : i32
      %mul3A_95 = arith.muli %scan3A_93, %mul3A_94 : i32
      %add3A_96 = arith.constant 0 : i32
      %add3A_97 = arith.addi %add3A_96, %mul3A_95 : i32
      %mul3A_98 = arith.constant 128 : i32
      %mul3A_99 = arith.muli %add3A_97, %mul3A_98 : i32
      %add3A_100 = arith.constant 512 : i32
      %add3A_101 = arith.addi %add3A_100, %mul3A_99 : i32
      %dma_start3A = tpu.memref_slice %arg19[%add3A_101] : memref<6656xf32, #tpu.memory_space<vmem>> -> memref<128xf32, #tpu.memory_space<vmem>>
      %dma_start3A_102 = tpu.memref_slice %arg18[%add3A_101] : memref<6656xi32, #tpu.memory_space<vmem>> -> memref<128xi32, #tpu.memory_space<vmem>>
      %dma_start3A_103 = arith.constant 0 : i32
      %dma_start3A_104 = tpu.memref_slice %arg3[%dma_start3A_103] : memref<1048576xf32, #tpu.memory_space<hbm>> -> memref<1048576xf32, #tpu.memory_space<hbm>>
      tpu.enqueue_indirect_dma source(%dma_start3A_104 : memref<1048576xf32, #tpu.memory_space<hbm>>) target(%dma_start3A : memref<128xf32, #tpu.memory_space<vmem>>) offsets(%dma_start3A_102 : memref<128xi32, #tpu.memory_space<vmem>>) semaphore(%arg21 : memref<!tpu.dma_semaphore, #tpu.memory_space<semaphore_mem>>)
    }
    %scan3A_24 = arith.constant 4 : i32
    %scan3A_25 = arith.constant 0 : i32
    %scan3A_26 = arith.constant 4 : i32
    %scan3A_27 = arith.addi %scan3A_25, %scan3A_26 : i32
    %scan3A_28 = arith.constant 1 : i32
    scf.for %scan3A_93 = %scan3A_25 to %scan3A_27 step %scan3A_28  : i32 {
      %mul3A_94 = arith.constant 1 : i32
      %mul3A_95 = arith.muli %scan3A_93, %mul3A_94 : i32
      %add3A_96 = arith.constant 0 : i32
      %add3A_97 = arith.addi %add3A_96, %mul3A_95 : i32
      %mul3A_98 = arith.constant 128 : i32
      %mul3A_99 = arith.muli %add3A_97, %mul3A_98 : i32
      %add3A_100 = arith.constant 1024 : i32
      %add3A_101 = arith.addi %add3A_100, %mul3A_99 : i32
      %dma_start3A = tpu.memref_slice %arg19[%add3A_101] : memref<6656xf32, #tpu.memory_space<vmem>> -> memref<128xf32, #tpu.memory_space<vmem>>
      %dma_start3A_102 = tpu.memref_slice %arg18[%add3A_101] : memref<6656xi32, #tpu.memory_space<vmem>> -> memref<128xi32, #tpu.memory_space<vmem>>
      %dma_start3A_103 = arith.constant 0 : i32
      %dma_start3A_104 = tpu.memref_slice %arg4[%dma_start3A_103] : memref<1048576xf32, #tpu.memory_space<hbm>> -> memref<1048576xf32, #tpu.memory_space<hbm>>
      tpu.enqueue_indirect_dma source(%dma_start3A_104 : memref<1048576xf32, #tpu.memory_space<hbm>>) target(%dma_start3A : memref<128xf32, #tpu.memory_space<vmem>>) offsets(%dma_start3A_102 : memref<128xi32, #tpu.memory_space<vmem>>) semaphore(%arg21 : memref<!tpu.dma_semaphore, #tpu.memory_space<semaphore_mem>>)
    }
    %scan3A_29 = arith.constant 4 : i32
    %scan3A_30 = arith.constant 0 : i32
    %scan3A_31 = arith.constant 4 : i32
    %scan3A_32 = arith.addi %scan3A_30, %scan3A_31 : i32
    %scan3A_33 = arith.constant 1 : i32
    scf.for %scan3A_93 = %scan3A_30 to %scan3A_32 step %scan3A_33  : i32 {
      %mul3A_94 = arith.constant 1 : i32
      %mul3A_95 = arith.muli %scan3A_93, %mul3A_94 : i32
      %add3A_96 = arith.constant 0 : i32
      %add3A_97 = arith.addi %add3A_96, %mul3A_95 : i32
      %mul3A_98 = arith.constant 128 : i32
      %mul3A_99 = arith.muli %add3A_97, %mul3A_98 : i32
      %add3A_100 = arith.constant 1536 : i32
      %add3A_101 = arith.addi %add3A_100, %mul3A_99 : i32
      %dma_start3A = tpu.memref_slice %arg19[%add3A_101] : memref<6656xf32, #tpu.memory_space<vmem>> -> memref<128xf32, #tpu.memory_space<vmem>>
      %dma_start3A_102 = tpu.memref_slice %arg18[%add3A_101] : memref<6656xi32, #tpu.memory_space<vmem>> -> memref<128xi32, #tpu.memory_space<vmem>>
      %dma_start3A_103 = arith.constant 0 : i32
      %dma_start3A_104 = tpu.memref_slice %arg5[%dma_start3A_103] : memref<1048576xf32, #tpu.memory_space<hbm>> -> memref<1048576xf32, #tpu.memory_space<hbm>>
      tpu.enqueue_indirect_dma source(%dma_start3A_104 : memref<1048576xf32, #tpu.memory_space<hbm>>) target(%dma_start3A : memref<128xf32, #tpu.memory_space<vmem>>) offsets(%dma_start3A_102 : memref<128xi32, #tpu.memory_space<vmem>>) semaphore(%arg21 : memref<!tpu.dma_semaphore, #tpu.memory_space<semaphore_mem>>)
    }
    %scan3A_34 = arith.constant 4 : i32
    %scan3A_35 = arith.constant 0 : i32
    %scan3A_36 = arith.constant 4 : i32
    %scan3A_37 = arith.addi %scan3A_35, %scan3A_36 : i32
    %scan3A_38 = arith.constant 1 : i32
    scf.for %scan3A_93 = %scan3A_35 to %scan3A_37 step %scan3A_38  : i32 {
      %mul3A_94 = arith.constant 1 : i32
      %mul3A_95 = arith.muli %scan3A_93, %mul3A_94 : i32
      %add3A_96 = arith.constant 0 : i32
      %add3A_97 = arith.addi %add3A_96, %mul3A_95 : i32
      %mul3A_98 = arith.constant 128 : i32
      %mul3A_99 = arith.muli %add3A_97, %mul3A_98 : i32
      %add3A_100 = arith.constant 2048 : i32
      %add3A_101 = arith.addi %add3A_100, %mul3A_99 : i32
      %dma_start3A = tpu.memref_slice %arg19[%add3A_101] : memref<6656xf32, #tpu.memory_space<vmem>> -> memref<128xf32, #tpu.memory_space<vmem>>
      %dma_start3A_102 = tpu.memref_slice %arg18[%add3A_101] : memref<6656xi32, #tpu.memory_space<vmem>> -> memref<128xi32, #tpu.memory_space<vmem>>
      %dma_start3A_103 = arith.constant 0 : i32
      %dma_start3A_104 = tpu.memref_slice %arg6[%dma_start3A_103] : memref<1048576xf32, #tpu.memory_space<hbm>> -> memref<1048576xf32, #tpu.memory_space<hbm>>
      tpu.enqueue_indirect_dma source(%dma_start3A_104 : memref<1048576xf32, #tpu.memory_space<hbm>>) target(%dma_start3A : memref<128xf32, #tpu.memory_space<vmem>>) offsets(%dma_start3A_102 : memref<128xi32, #tpu.memory_space<vmem>>) semaphore(%arg21 : memref<!tpu.dma_semaphore, #tpu.memory_space<semaphore_mem>>)
    }
    %scan3A_39 = arith.constant 4 : i32
    %scan3A_40 = arith.constant 0 : i32
    %scan3A_41 = arith.constant 4 : i32
    %scan3A_42 = arith.addi %scan3A_40, %scan3A_41 : i32
    %scan3A_43 = arith.constant 1 : i32
    scf.for %scan3A_93 = %scan3A_40 to %scan3A_42 step %scan3A_43  : i32 {
      %mul3A_94 = arith.constant 1 : i32
      %mul3A_95 = arith.muli %scan3A_93, %mul3A_94 : i32
      %add3A_96 = arith.constant 0 : i32
      %add3A_97 = arith.addi %add3A_96, %mul3A_95 : i32
      %mul3A_98 = arith.constant 128 : i32
      %mul3A_99 = arith.muli %add3A_97, %mul3A_98 : i32
      %add3A_100 = arith.constant 2560 : i32
      %add3A_101 = arith.addi %add3A_100, %mul3A_99 : i32
      %dma_start3A = tpu.memref_slice %arg19[%add3A_101] : memref<6656xf32, #tpu.memory_space<vmem>> -> memref<128xf32, #tpu.memory_space<vmem>>
      %dma_start3A_102 = tpu.memref_slice %arg18[%add3A_101] : memref<6656xi32, #tpu.memory_space<vmem>> -> memref<128xi32, #tpu.memory_space<vmem>>
      %dma_start3A_103 = arith.constant 0 : i32
      %dma_start3A_104 = tpu.memref_slice %arg7[%dma_start3A_103] : memref<1048576xf32, #tpu.memory_space<hbm>> -> memref<1048576xf32, #tpu.memory_space<hbm>>
      tpu.enqueue_indirect_dma source(%dma_start3A_104 : memref<1048576xf32, #tpu.memory_space<hbm>>) target(%dma_start3A : memref<128xf32, #tpu.memory_space<vmem>>) offsets(%dma_start3A_102 : memref<128xi32, #tpu.memory_space<vmem>>) semaphore(%arg21 : memref<!tpu.dma_semaphore, #tpu.memory_space<semaphore_mem>>)
    }
    %scan3A_44 = arith.constant 4 : i32
    %scan3A_45 = arith.constant 0 : i32
    %scan3A_46 = arith.constant 4 : i32
    %scan3A_47 = arith.addi %scan3A_45, %scan3A_46 : i32
    %scan3A_48 = arith.constant 1 : i32
    scf.for %scan3A_93 = %scan3A_45 to %scan3A_47 step %scan3A_48  : i32 {
      %mul3A_94 = arith.constant 1 : i32
      %mul3A_95 = arith.muli %scan3A_93, %mul3A_94 : i32
      %add3A_96 = arith.constant 0 : i32
      %add3A_97 = arith.addi %add3A_96, %mul3A_95 : i32
      %mul3A_98 = arith.constant 128 : i32
      %mul3A_99 = arith.muli %add3A_97, %mul3A_98 : i32
      %add3A_100 = arith.constant 3072 : i32
      %add3A_101 = arith.addi %add3A_100, %mul3A_99 : i32
      %dma_start3A = tpu.memref_slice %arg19[%add3A_101] : memref<6656xf32, #tpu.memory_space<vmem>> -> memref<128xf32, #tpu.memory_space<vmem>>
      %dma_start3A_102 = tpu.memref_slice %arg18[%add3A_101] : memref<6656xi32, #tpu.memory_space<vmem>> -> memref<128xi32, #tpu.memory_space<vmem>>
      %dma_start3A_103 = arith.constant 0 : i32
      %dma_start3A_104 = tpu.memref_slice %arg8[%dma_start3A_103] : memref<1048576xf32, #tpu.memory_space<hbm>> -> memref<1048576xf32, #tpu.memory_space<hbm>>
      tpu.enqueue_indirect_dma source(%dma_start3A_104 : memref<1048576xf32, #tpu.memory_space<hbm>>) target(%dma_start3A : memref<128xf32, #tpu.memory_space<vmem>>) offsets(%dma_start3A_102 : memref<128xi32, #tpu.memory_space<vmem>>) semaphore(%arg21 : memref<!tpu.dma_semaphore, #tpu.memory_space<semaphore_mem>>)
    }
    %scan3A_49 = arith.constant 4 : i32
    %scan3A_50 = arith.constant 0 : i32
    %scan3A_51 = arith.constant 4 : i32
    %scan3A_52 = arith.addi %scan3A_50, %scan3A_51 : i32
    %scan3A_53 = arith.constant 1 : i32
    scf.for %scan3A_93 = %scan3A_50 to %scan3A_52 step %scan3A_53  : i32 {
      %mul3A_94 = arith.constant 1 : i32
      %mul3A_95 = arith.muli %scan3A_93, %mul3A_94 : i32
      %add3A_96 = arith.constant 0 : i32
      %add3A_97 = arith.addi %add3A_96, %mul3A_95 : i32
      %mul3A_98 = arith.constant 128 : i32
      %mul3A_99 = arith.muli %add3A_97, %mul3A_98 : i32
      %add3A_100 = arith.constant 3584 : i32
      %add3A_101 = arith.addi %add3A_100, %mul3A_99 : i32
      %dma_start3A = tpu.memref_slice %arg19[%add3A_101] : memref<6656xf32, #tpu.memory_space<vmem>> -> memref<128xf32, #tpu.memory_space<vmem>>
      %dma_start3A_102 = tpu.memref_slice %arg18[%add3A_101] : memref<6656xi32, #tpu.memory_space<vmem>> -> memref<128xi32, #tpu.memory_space<vmem>>
      %dma_start3A_103 = arith.constant 0 : i32
      %dma_start3A_104 = tpu.memref_slice %arg9[%dma_start3A_103] : memref<1048576xf32, #tpu.memory_space<hbm>> -> memref<1048576xf32, #tpu.memory_space<hbm>>
      tpu.enqueue_indirect_dma source(%dma_start3A_104 : memref<1048576xf32, #tpu.memory_space<hbm>>) target(%dma_start3A : memref<128xf32, #tpu.memory_space<vmem>>) offsets(%dma_start3A_102 : memref<128xi32, #tpu.memory_space<vmem>>) semaphore(%arg21 : memref<!tpu.dma_semaphore, #tpu.memory_space<semaphore_mem>>)
    }
    %scan3A_54 = arith.constant 4 : i32
    %scan3A_55 = arith.constant 0 : i32
    %scan3A_56 = arith.constant 4 : i32
    %scan3A_57 = arith.addi %scan3A_55, %scan3A_56 : i32
    %scan3A_58 = arith.constant 1 : i32
    scf.for %scan3A_93 = %scan3A_55 to %scan3A_57 step %scan3A_58  : i32 {
      %mul3A_94 = arith.constant 1 : i32
      %mul3A_95 = arith.muli %scan3A_93, %mul3A_94 : i32
      %add3A_96 = arith.constant 0 : i32
      %add3A_97 = arith.addi %add3A_96, %mul3A_95 : i32
      %mul3A_98 = arith.constant 128 : i32
      %mul3A_99 = arith.muli %add3A_97, %mul3A_98 : i32
      %add3A_100 = arith.constant 4096 : i32
      %add3A_101 = arith.addi %add3A_100, %mul3A_99 : i32
      %dma_start3A = tpu.memref_slice %arg19[%add3A_101] : memref<6656xf32, #tpu.memory_space<vmem>> -> memref<128xf32, #tpu.memory_space<vmem>>
      %dma_start3A_102 = tpu.memref_slice %arg18[%add3A_101] : memref<6656xi32, #tpu.memory_space<vmem>> -> memref<128xi32, #tpu.memory_space<vmem>>
      %dma_start3A_103 = arith.constant 0 : i32
      %dma_start3A_104 = tpu.memref_slice %arg10[%dma_start3A_103] : memref<1048576xf32, #tpu.memory_space<hbm>> -> memref<1048576xf32, #tpu.memory_space<hbm>>
      tpu.enqueue_indirect_dma source(%dma_start3A_104 : memref<1048576xf32, #tpu.memory_space<hbm>>) target(%dma_start3A : memref<128xf32, #tpu.memory_space<vmem>>) offsets(%dma_start3A_102 : memref<128xi32, #tpu.memory_space<vmem>>) semaphore(%arg21 : memref<!tpu.dma_semaphore, #tpu.memory_space<semaphore_mem>>)
    }
    %scan3A_59 = arith.constant 4 : i32
    %scan3A_60 = arith.constant 0 : i32
    %scan3A_61 = arith.constant 4 : i32
    %scan3A_62 = arith.addi %scan3A_60, %scan3A_61 : i32
    %scan3A_63 = arith.constant 1 : i32
    scf.for %scan3A_93 = %scan3A_60 to %scan3A_62 step %scan3A_63  : i32 {
      %mul3A_94 = arith.constant 1 : i32
      %mul3A_95 = arith.muli %scan3A_93, %mul3A_94 : i32
      %add3A_96 = arith.constant 0 : i32
      %add3A_97 = arith.addi %add3A_96, %mul3A_95 : i32
      %mul3A_98 = arith.constant 128 : i32
      %mul3A_99 = arith.muli %add3A_97, %mul3A_98 : i32
      %add3A_100 = arith.constant 4608 : i32
      %add3A_101 = arith.addi %add3A_100, %mul3A_99 : i32
      %dma_start3A = tpu.memref_slice %arg19[%add3A_101] : memref<6656xf32, #tpu.memory_space<vmem>> -> memref<128xf32, #tpu.memory_space<vmem>>
      %dma_start3A_102 = tpu.memref_slice %arg18[%add3A_101] : memref<6656xi32, #tpu.memory_space<vmem>> -> memref<128xi32, #tpu.memory_space<vmem>>
      %dma_start3A_103 = arith.constant 0 : i32
      %dma_start3A_104 = tpu.memref_slice %arg11[%dma_start3A_103] : memref<1048576xf32, #tpu.memory_space<hbm>> -> memref<1048576xf32, #tpu.memory_space<hbm>>
      tpu.enqueue_indirect_dma source(%dma_start3A_104 : memref<1048576xf32, #tpu.memory_space<hbm>>) target(%dma_start3A : memref<128xf32, #tpu.memory_space<vmem>>) offsets(%dma_start3A_102 : memref<128xi32, #tpu.memory_space<vmem>>) semaphore(%arg21 : memref<!tpu.dma_semaphore, #tpu.memory_space<semaphore_mem>>)
    }
    %scan3A_64 = arith.constant 4 : i32
    %scan3A_65 = arith.constant 0 : i32
    %scan3A_66 = arith.constant 4 : i32
    %scan3A_67 = arith.addi %scan3A_65, %scan3A_66 : i32
    %scan3A_68 = arith.constant 1 : i32
    scf.for %scan3A_93 = %scan3A_65 to %scan3A_67 step %scan3A_68  : i32 {
      %mul3A_94 = arith.constant 1 : i32
      %mul3A_95 = arith.muli %scan3A_93, %mul3A_94 : i32
      %add3A_96 = arith.constant 0 : i32
      %add3A_97 = arith.addi %add3A_96, %mul3A_95 : i32
      %mul3A_98 = arith.constant 128 : i32
      %mul3A_99 = arith.muli %add3A_97, %mul3A_98 : i32
      %add3A_100 = arith.constant 5120 : i32
      %add3A_101 = arith.addi %add3A_100, %mul3A_99 : i32
      %dma_start3A = tpu.memref_slice %arg19[%add3A_101] : memref<6656xf32, #tpu.memory_space<vmem>> -> memref<128xf32, #tpu.memory_space<vmem>>
      %dma_start3A_102 = tpu.memref_slice %arg18[%add3A_101] : memref<6656xi32, #tpu.memory_space<vmem>> -> memref<128xi32, #tpu.memory_space<vmem>>
      %dma_start3A_103 = arith.constant 0 : i32
      %dma_start3A_104 = tpu.memref_slice %arg12[%dma_start3A_103] : memref<1048576xf32, #tpu.memory_space<hbm>> -> memref<1048576xf32, #tpu.memory_space<hbm>>
      tpu.enqueue_indirect_dma source(%dma_start3A_104 : memref<1048576xf32, #tpu.memory_space<hbm>>) target(%dma_start3A : memref<128xf32, #tpu.memory_space<vmem>>) offsets(%dma_start3A_102 : memref<128xi32, #tpu.memory_space<vmem>>) semaphore(%arg21 : memref<!tpu.dma_semaphore, #tpu.memory_space<semaphore_mem>>)
    }
    %scan3A_69 = arith.constant 4 : i32
    %scan3A_70 = arith.constant 0 : i32
    %scan3A_71 = arith.constant 4 : i32
    %scan3A_72 = arith.addi %scan3A_70, %scan3A_71 : i32
    %scan3A_73 = arith.constant 1 : i32
    scf.for %scan3A_93 = %scan3A_70 to %scan3A_72 step %scan3A_73  : i32 {
      %mul3A_94 = arith.constant 1 : i32
      %mul3A_95 = arith.muli %scan3A_93, %mul3A_94 : i32
      %add3A_96 = arith.constant 0 : i32
      %add3A_97 = arith.addi %add3A_96, %mul3A_95 : i32
      %mul3A_98 = arith.constant 128 : i32
      %mul3A_99 = arith.muli %add3A_97, %mul3A_98 : i32
      %add3A_100 = arith.constant 5632 : i32
      %add3A_101 = arith.addi %add3A_100, %mul3A_99 : i32
      %dma_start3A = tpu.memref_slice %arg19[%add3A_101] : memref<6656xf32, #tpu.memory_space<vmem>> -> memref<128xf32, #tpu.memory_space<vmem>>
      %dma_start3A_102 = tpu.memref_slice %arg18[%add3A_101] : memref<6656xi32, #tpu.memory_space<vmem>> -> memref<128xi32, #tpu.memory_space<vmem>>
      %dma_start3A_103 = arith.constant 0 : i32
      %dma_start3A_104 = tpu.memref_slice %arg13[%dma_start3A_103] : memref<1048576xf32, #tpu.memory_space<hbm>> -> memref<1048576xf32, #tpu.memory_space<hbm>>
      tpu.enqueue_indirect_dma source(%dma_start3A_104 : memref<1048576xf32, #tpu.memory_space<hbm>>) target(%dma_start3A : memref<128xf32, #tpu.memory_space<vmem>>) offsets(%dma_start3A_102 : memref<128xi32, #tpu.memory_space<vmem>>) semaphore(%arg21 : memref<!tpu.dma_semaphore, #tpu.memory_space<semaphore_mem>>)
    }
    %scan3A_74 = arith.constant 4 : i32
    %scan3A_75 = arith.constant 0 : i32
    %scan3A_76 = arith.constant 4 : i32
    %scan3A_77 = arith.addi %scan3A_75, %scan3A_76 : i32
    %scan3A_78 = arith.constant 1 : i32
    scf.for %scan3A_93 = %scan3A_75 to %scan3A_77 step %scan3A_78  : i32 {
      %mul3A_94 = arith.constant 1 : i32
      %mul3A_95 = arith.muli %scan3A_93, %mul3A_94 : i32
      %add3A_96 = arith.constant 0 : i32
      %add3A_97 = arith.addi %add3A_96, %mul3A_95 : i32
      %mul3A_98 = arith.constant 128 : i32
      %mul3A_99 = arith.muli %add3A_97, %mul3A_98 : i32
      %add3A_100 = arith.constant 6144 : i32
      %add3A_101 = arith.addi %add3A_100, %mul3A_99 : i32
      %dma_start3A = tpu.memref_slice %arg19[%add3A_101] : memref<6656xf32, #tpu.memory_space<vmem>> -> memref<128xf32, #tpu.memory_space<vmem>>
      %dma_start3A_102 = tpu.memref_slice %arg18[%add3A_101] : memref<6656xi32, #tpu.memory_space<vmem>> -> memref<128xi32, #tpu.memory_space<vmem>>
      %dma_start3A_103 = arith.constant 0 : i32
      %dma_start3A_104 = tpu.memref_slice %arg14[%dma_start3A_103] : memref<1048576xf32, #tpu.memory_space<hbm>> -> memref<1048576xf32, #tpu.memory_space<hbm>>
      tpu.enqueue_indirect_dma source(%dma_start3A_104 : memref<1048576xf32, #tpu.memory_space<hbm>>) target(%dma_start3A : memref<128xf32, #tpu.memory_space<vmem>>) offsets(%dma_start3A_102 : memref<128xi32, #tpu.memory_space<vmem>>) semaphore(%arg21 : memref<!tpu.dma_semaphore, #tpu.memory_space<semaphore_mem>>)
    }
    %scan3A_79 = arith.constant 4 : i32
    %dma_wait3A_80 = arith.constant 0 : i32
    %dma_wait3A_81 = tpu.memref_slice %arg15[%dma_wait3A_80] : memref<212992xf32, #tpu.memory_space<hbm>> -> memref<6656xf32, #tpu.memory_space<hbm>>
    %dma_wait3A_82 = arith.constant 0 : i32
    %dma_wait3A_83 = tpu.memref_slice %arg15[%dma_wait3A_82] : memref<212992xf32, #tpu.memory_space<hbm>> -> memref<6656xf32, #tpu.memory_space<hbm>>
    tpu.wait_dma2 semaphore(%arg21 : memref<!tpu.dma_semaphore, #tpu.memory_space<semaphore_mem>>) src(%dma_wait3A_83 : memref<6656xf32, #tpu.memory_space<hbm>>) dst(%arg19 : memref<6656xf32, #tpu.memory_space<vmem>>)
    %scan3A_84 = arith.constant 0 : i32
    %scan3A_85 = arith.constant 13 : i32
    %scan3A_86 = arith.addi %scan3A_84, %scan3A_85 : i32
    %scan3A_87 = arith.constant 1 : i32
    scf.for %scan3A_93 = %scan3A_84 to %scan3A_86 step %scan3A_87  : i32 {
      %mul3A_94 = arith.constant 1 : i32
      %mul3A_95 = arith.muli %scan3A_93, %mul3A_94 : i32
      %add3A_96 = arith.constant 0 : i32
      %add3A_97 = arith.addi %add3A_96, %mul3A_95 : i32
      %mul3A_98 = arith.constant 512 : i32
      %mul3A_99 = arith.muli %add3A_97, %mul3A_98 : i32
      %mul3A_100 = arith.constant 16384 : i32
      %mul3A_101 = arith.muli %add3A_97, %mul3A_100 : i32
      %add3A_102 = arith.addi %mul3A_101, %mul3A_2 : i32
      %dma_start3A = tpu.memref_slice %arg19[%mul3A_99] : memref<6656xf32, #tpu.memory_space<vmem>> -> memref<512xf32, #tpu.memory_space<vmem>>
      %dma_start3A_103 = tpu.memref_slice %arg16[%add3A_102] : memref<212992xf32, #tpu.memory_space<hbm>> -> memref<512xf32, #tpu.memory_space<hbm>>
      %dma_start3A_104 = tpu.memref_slice %arg16[%add3A_102] : memref<212992xf32, #tpu.memory_space<hbm>> -> memref<512xf32, #tpu.memory_space<hbm>>
      %dma_start3A_105 = tpu.memref_slice %arg19[%mul3A_99] : memref<6656xf32, #tpu.memory_space<vmem>> -> memref<512xf32, #tpu.memory_space<vmem>>
      tpu.enqueue_dma source(%dma_start3A_105 : memref<512xf32, #tpu.memory_space<vmem>>) target(%dma_start3A_104 : memref<512xf32, #tpu.memory_space<hbm>>) target_semaphore(%arg20 : memref<!tpu.dma_semaphore, #tpu.memory_space<semaphore_mem>>)
    }
    %scan3A_88 = arith.constant 13 : i32
    %dma_wait3A_89 = arith.constant 0 : i32
    %dma_wait3A_90 = tpu.memref_slice %arg16[%dma_wait3A_89] : memref<212992xf32, #tpu.memory_space<hbm>> -> memref<6656xf32, #tpu.memory_space<hbm>>
    %dma_wait3A_91 = arith.constant 0 : i32
    %dma_wait3A_92 = tpu.memref_slice %arg16[%dma_wait3A_91] : memref<212992xf32, #tpu.memory_space<hbm>> -> memref<6656xf32, #tpu.memory_space<hbm>>
    tpu.wait_dma2 semaphore(%arg20 : memref<!tpu.dma_semaphore, #tpu.memory_space<semaphore_mem>>) src(%arg19 : memref<6656xf32, #tpu.memory_space<vmem>>) dst(%dma_wait3A_92 : memref<6656xf32, #tpu.memory_space<hbm>>)
    return
  }
}

module attributes {stable_mosaic.version = 14 : i64} {
  func.func @_detile_body(%arg0: i32, %arg1: memref<13x131072xf32, #tpu.memory_space<vmem>>, %arg2: memref<131072xf32, #tpu.memory_space<vmem>>, %arg3: memref<131072xf32, #tpu.memory_space<vmem>>, %arg4: memref<131072xf32, #tpu.memory_space<vmem>>, %arg5: memref<131072xf32, #tpu.memory_space<vmem>>, %arg6: memref<131072xf32, #tpu.memory_space<vmem>>, %arg7: memref<131072xf32, #tpu.memory_space<vmem>>, %arg8: memref<131072xf32, #tpu.memory_space<vmem>>, %arg9: memref<131072xf32, #tpu.memory_space<vmem>>, %arg10: memref<131072xf32, #tpu.memory_space<vmem>>, %arg11: memref<131072xf32, #tpu.memory_space<vmem>>, %arg12: memref<131072xf32, #tpu.memory_space<vmem>>, %arg13: memref<131072xf32, #tpu.memory_space<vmem>>, %arg14: memref<131072xf32, #tpu.memory_space<vmem>>) attributes {dimension_semantics = [#tpu.dimension_semantics<parallel>], iteration_bounds = array<i64: 8>, scalar_prefetch = 0 : i64, scratch_operands = 0 : i64, tpu.core_type = #tpu.core_type<tc>, window_params = [{transform_indices = @transform_0, window_bounds = array<i64: 13, 131072>}, {transform_indices = @transform_1, window_bounds = array<i64: 131072>}, {transform_indices = @transform_2, window_bounds = array<i64: 131072>}, {transform_indices = @transform_3, window_bounds = array<i64: 131072>}, {transform_indices = @transform_4, window_bounds = array<i64: 131072>}, {transform_indices = @transform_5, window_bounds = array<i64: 131072>}, {transform_indices = @transform_6, window_bounds = array<i64: 131072>}, {transform_indices = @transform_7, window_bounds = array<i64: 131072>}, {transform_indices = @transform_8, window_bounds = array<i64: 131072>}, {transform_indices = @transform_9, window_bounds = array<i64: 131072>}, {transform_indices = @transform_10, window_bounds = array<i64: 131072>}, {transform_indices = @transform_11, window_bounds = array<i64: 131072>}, {transform_indices = @transform_12, window_bounds = array<i64: 131072>}, {transform_indices = @transform_13, window_bounds = array<i64: 131072>}]} {
    %get3A = arith.constant 0 : index
    %get3A_0 = arith.constant 0 : index
    %get3A_1 = vector.load %arg1[%get3A, %get3A_0] : memref<13x131072xf32, #tpu.memory_space<vmem>>, vector<1x131072xf32>
    %get3A_2 = vector.shape_cast %get3A_1 : vector<1x131072xf32> to vector<131072xf32>
    %swap3A = arith.constant 0 : index
    %swap3A_3 = vector.load %arg2[%swap3A] : memref<131072xf32, #tpu.memory_space<vmem>>, vector<131072xf32>
    tpu.vector_store %arg2[%swap3A], %get3A_2 {strides = array<i32>} : memref<131072xf32, #tpu.memory_space<vmem>>, vector<131072xf32>,
    %get3A_4 = arith.constant 1 : index
    %get3A_5 = arith.constant 0 : index
    %get3A_6 = vector.load %arg1[%get3A_4, %get3A_5] : memref<13x131072xf32, #tpu.memory_space<vmem>>, vector<1x131072xf32>
    %get3A_7 = vector.shape_cast %get3A_6 : vector<1x131072xf32> to vector<131072xf32>
    %swap3A_8 = arith.constant 0 : index
    %swap3A_9 = vector.load %arg3[%swap3A_8] : memref<131072xf32, #tpu.memory_space<vmem>>, vector<131072xf32>
    tpu.vector_store %arg3[%swap3A_8], %get3A_7 {strides = array<i32>} : memref<131072xf32, #tpu.memory_space<vmem>>, vector<131072xf32>,
    %get3A_10 = arith.constant 2 : index
    %get3A_11 = arith.constant 0 : index
    %get3A_12 = vector.load %arg1[%get3A_10, %get3A_11] : memref<13x131072xf32, #tpu.memory_space<vmem>>, vector<1x131072xf32>
    %get3A_13 = vector.shape_cast %get3A_12 : vector<1x131072xf32> to vector<131072xf32>
    %swap3A_14 = arith.constant 0 : index
    %swap3A_15 = vector.load %arg4[%swap3A_14] : memref<131072xf32, #tpu.memory_space<vmem>>, vector<131072xf32>
    tpu.vector_store %arg4[%swap3A_14], %get3A_13 {strides = array<i32>} : memref<131072xf32, #tpu.memory_space<vmem>>, vector<131072xf32>,
    %get3A_16 = arith.constant 3 : index
    %get3A_17 = arith.constant 0 : index
    %get3A_18 = vector.load %arg1[%get3A_16, %get3A_17] : memref<13x131072xf32, #tpu.memory_space<vmem>>, vector<1x131072xf32>
    %get3A_19 = vector.shape_cast %get3A_18 : vector<1x131072xf32> to vector<131072xf32>
    %swap3A_20 = arith.constant 0 : index
    %swap3A_21 = vector.load %arg5[%swap3A_20] : memref<131072xf32, #tpu.memory_space<vmem>>, vector<131072xf32>
    tpu.vector_store %arg5[%swap3A_20], %get3A_19 {strides = array<i32>} : memref<131072xf32, #tpu.memory_space<vmem>>, vector<131072xf32>,
    %get3A_22 = arith.constant 4 : index
    %get3A_23 = arith.constant 0 : index
    %get3A_24 = vector.load %arg1[%get3A_22, %get3A_23] : memref<13x131072xf32, #tpu.memory_space<vmem>>, vector<1x131072xf32>
    %get3A_25 = vector.shape_cast %get3A_24 : vector<1x131072xf32> to vector<131072xf32>
    %swap3A_26 = arith.constant 0 : index
    %swap3A_27 = vector.load %arg6[%swap3A_26] : memref<131072xf32, #tpu.memory_space<vmem>>, vector<131072xf32>
    tpu.vector_store %arg6[%swap3A_26], %get3A_25 {strides = array<i32>} : memref<131072xf32, #tpu.memory_space<vmem>>, vector<131072xf32>,
    %get3A_28 = arith.constant 5 : index
    %get3A_29 = arith.constant 0 : index
    %get3A_30 = vector.load %arg1[%get3A_28, %get3A_29] : memref<13x131072xf32, #tpu.memory_space<vmem>>, vector<1x131072xf32>
    %get3A_31 = vector.shape_cast %get3A_30 : vector<1x131072xf32> to vector<131072xf32>
    %swap3A_32 = arith.constant 0 : index
    %swap3A_33 = vector.load %arg7[%swap3A_32] : memref<131072xf32, #tpu.memory_space<vmem>>, vector<131072xf32>
    tpu.vector_store %arg7[%swap3A_32], %get3A_31 {strides = array<i32>} : memref<131072xf32, #tpu.memory_space<vmem>>, vector<131072xf32>,
    %get3A_34 = arith.constant 6 : index
    %get3A_35 = arith.constant 0 : index
    %get3A_36 = vector.load %arg1[%get3A_34, %get3A_35] : memref<13x131072xf32, #tpu.memory_space<vmem>>, vector<1x131072xf32>
    %get3A_37 = vector.shape_cast %get3A_36 : vector<1x131072xf32> to vector<131072xf32>
    %swap3A_38 = arith.constant 0 : index
    %swap3A_39 = vector.load %arg8[%swap3A_38] : memref<131072xf32, #tpu.memory_space<vmem>>, vector<131072xf32>
    tpu.vector_store %arg8[%swap3A_38], %get3A_37 {strides = array<i32>} : memref<131072xf32, #tpu.memory_space<vmem>>, vector<131072xf32>,
    %get3A_40 = arith.constant 7 : index
    %get3A_41 = arith.constant 0 : index
    %get3A_42 = vector.load %arg1[%get3A_40, %get3A_41] : memref<13x131072xf32, #tpu.memory_space<vmem>>, vector<1x131072xf32>
    %get3A_43 = vector.shape_cast %get3A_42 : vector<1x131072xf32> to vector<131072xf32>
    %swap3A_44 = arith.constant 0 : index
    %swap3A_45 = vector.load %arg9[%swap3A_44] : memref<131072xf32, #tpu.memory_space<vmem>>, vector<131072xf32>
    tpu.vector_store %arg9[%swap3A_44], %get3A_43 {strides = array<i32>} : memref<131072xf32, #tpu.memory_space<vmem>>, vector<131072xf32>,
    %get3A_46 = arith.constant 8 : index
    %get3A_47 = arith.constant 0 : index
    %get3A_48 = vector.load %arg1[%get3A_46, %get3A_47] : memref<13x131072xf32, #tpu.memory_space<vmem>>, vector<1x131072xf32>
    %get3A_49 = vector.shape_cast %get3A_48 : vector<1x131072xf32> to vector<131072xf32>
    %swap3A_50 = arith.constant 0 : index
    %swap3A_51 = vector.load %arg10[%swap3A_50] : memref<131072xf32, #tpu.memory_space<vmem>>, vector<131072xf32>
    tpu.vector_store %arg10[%swap3A_50], %get3A_49 {strides = array<i32>} : memref<131072xf32, #tpu.memory_space<vmem>>, vector<131072xf32>,
    %get3A_52 = arith.constant 9 : index
    %get3A_53 = arith.constant 0 : index
    %get3A_54 = vector.load %arg1[%get3A_52, %get3A_53] : memref<13x131072xf32, #tpu.memory_space<vmem>>, vector<1x131072xf32>
    %get3A_55 = vector.shape_cast %get3A_54 : vector<1x131072xf32> to vector<131072xf32>
    %swap3A_56 = arith.constant 0 : index
    %swap3A_57 = vector.load %arg11[%swap3A_56] : memref<131072xf32, #tpu.memory_space<vmem>>, vector<131072xf32>
    tpu.vector_store %arg11[%swap3A_56], %get3A_55 {strides = array<i32>} : memref<131072xf32, #tpu.memory_space<vmem>>, vector<131072xf32>,
    %get3A_58 = arith.constant 10 : index
    %get3A_59 = arith.constant 0 : index
    %get3A_60 = vector.load %arg1[%get3A_58, %get3A_59] : memref<13x131072xf32, #tpu.memory_space<vmem>>, vector<1x131072xf32>
    %get3A_61 = vector.shape_cast %get3A_60 : vector<1x131072xf32> to vector<131072xf32>
    %swap3A_62 = arith.constant 0 : index
    %swap3A_63 = vector.load %arg12[%swap3A_62] : memref<131072xf32, #tpu.memory_space<vmem>>, vector<131072xf32>
    tpu.vector_store %arg12[%swap3A_62], %get3A_61 {strides = array<i32>} : memref<131072xf32, #tpu.memory_space<vmem>>, vector<131072xf32>,
    %get3A_64 = arith.constant 11 : index
    %get3A_65 = arith.constant 0 : index
    %get3A_66 = vector.load %arg1[%get3A_64, %get3A_65] : memref<13x131072xf32, #tpu.memory_space<vmem>>, vector<1x131072xf32>
    %get3A_67 = vector.shape_cast %get3A_66 : vector<1x131072xf32> to vector<131072xf32>
    %swap3A_68 = arith.constant 0 : index
    %swap3A_69 = vector.load %arg13[%swap3A_68] : memref<131072xf32, #tpu.memory_space<vmem>>, vector<131072xf32>
    tpu.vector_store %arg13[%swap3A_68], %get3A_67 {strides = array<i32>} : memref<131072xf32, #tpu.memory_space<vmem>>, vector<131072xf32>,
    %get3A_70 = arith.constant 12 : index
    %get3A_71 = arith.constant 0 : index
    %get3A_72 = vector.load %arg1[%get3A_70, %get3A_71] : memref<13x131072xf32, #tpu.memory_space<vmem>>, vector<1x131072xf32>
    %get3A_73 = vector.shape_cast %get3A_72 : vector<1x131072xf32> to vector<131072xf32>
    %swap3A_74 = arith.constant 0 : index
    %swap3A_75 = vector.load %arg14[%swap3A_74] : memref<131072xf32, #tpu.memory_space<vmem>>, vector<131072xf32>
    tpu.vector_store %arg14[%swap3A_74], %get3A_73 {strides = array<i32>} : memref<131072xf32, #tpu.memory_space<vmem>>, vector<131072xf32>,
    return
  }
  func.func @transform_0(%arg0: i32) -> (i32, i32) {
    %c0_i32 = arith.constant 0 : i32
    %c0_i32_0 = arith.constant 0 : i32
    return %c0_i32, %arg0 : i32, i32
  }
  func.func @transform_1(%arg0: i32) -> i32 {
    %c0_i32 = arith.constant 0 : i32
    return %arg0 : i32
  }
  func.func @transform_2(%arg0: i32) -> i32 {
    %c0_i32 = arith.constant 0 : i32
    return %arg0 : i32
  }
  func.func @transform_3(%arg0: i32) -> i32 {
    %c0_i32 = arith.constant 0 : i32
    return %arg0 : i32
  }
  func.func @transform_4(%arg0: i32) -> i32 {
    %c0_i32 = arith.constant 0 : i32
    return %arg0 : i32
  }
  func.func @transform_5(%arg0: i32) -> i32 {
    %c0_i32 = arith.constant 0 : i32
    return %arg0 : i32
  }
  func.func @transform_6(%arg0: i32) -> i32 {
    %c0_i32 = arith.constant 0 : i32
    return %arg0 : i32
  }
  func.func @transform_7(%arg0: i32) -> i32 {
    %c0_i32 = arith.constant 0 : i32
    return %arg0 : i32
  }
  func.func @transform_8(%arg0: i32) -> i32 {
    %c0_i32 = arith.constant 0 : i32
    return %arg0 : i32
  }
  func.func @transform_9(%arg0: i32) -> i32 {
    %c0_i32 = arith.constant 0 : i32
    return %arg0 : i32
  }
  func.func @transform_10(%arg0: i32) -> i32 {
    %c0_i32 = arith.constant 0 : i32
    return %arg0 : i32
  }
  func.func @transform_11(%arg0: i32) -> i32 {
    %c0_i32 = arith.constant 0 : i32
    return %arg0 : i32
  }
  func.func @transform_12(%arg0: i32) -> i32 {
    %c0_i32 = arith.constant 0 : i32
    return %arg0 : i32
  }
  func.func @transform_13(%arg0: i32) -> i32 {
    %c0_i32 = arith.constant 0 : i32
    return %arg0 : i32
  }
}

</mosaic_0001>

<sc_bundles>
// kernel: kernel.4.cloned.1.call-start
scs
__scs_entry_jumppad:
0x0: {  	(pc) =	sbr.rel $0x88, $3  }
0x1: {  	(tag) =	ssettag $0x0;
	lr =	simm.s32 $0x1  }
0x2: {  	[smem:$0x3F9F] =	sst lr;
	_ =	strace $0xD0000000  }
0x3: {  	_ = 	snop  }
0x4: {  	_ = 	snop  }
0x5: {  	_ = 	snop  }
0x6: {  	_ = 	snop  }
0x7: {  	_ = 	snop  }
__scs_overlays_trampoline_lowered:
0x8: {  	[smem:$0x3FAE] =	sst s0  }
0x9: {  	[smem:$0x3FAF] =	sst s1  }
0xa: {  	[smem:$0x3FB0] =	sst s2  }
0xb: {  	[smem:$0x3FB1] =	sst s3  }
0xc: {  	[smem:$0x3FB2] =	sst s4  }
0xd: {  	[smem:$0x3FB3] =	sst s5  }
0xe: {  	[smem:$0x3FB4] =	sst s6  }
0xf: {  	[smem:$0x3FB5] =	sst s7  }
0x10: {  	[smem:$0x3FB6] =	sst s8  }
0x11: {  	[smem:$0x3FB7] =	sst s9;
	s0 =	simm.s32 @!p0 $0x0  }
0x12: {  	s1 =	sld [smem:$0x3F9D];
	s0 =	simm.s32 @p0 $0x1  }
0x13: {  	[smem:$0x3FB8] =	sst s0;
	s0 =	simm.s32 @!p1 $0x0  }
0x14: {  	s2 =	sld [smem:$0x3F9C];
	s0 =	simm.s32 @p1 $0x1  }
0x15: {  	[smem:$0x3FB9] =	sst s0;
	s0 =	simm.s32 @!p2 $0x0  }
0x16: {  	s3 =	sld [smem:$0x3FDB];
	s0 =	simm.s32 @p2 $0x1  }
0x17: {  	s4 =	simm.s32 $0x1BF5;
	[smem:$0x3FBB] =	sst s0  }
0x18: {  	s0 =	sld [smem:$0x3F9E];
	_ =	swait.ge [sflag:s4], $0x0  }
0x19: {  	s7 =	sld [smem:$0x3F9F]  }
0x1a: {  	s8 =	sadd.s32 $0xFFFFE003, lr  }
0x1b: {  	s9 =	sadd.s32 $0xFFFFFEF7, lr;
	s5 =	simm.s32 $0xFFFFFFFF;
	p2 =	slt.u32 s8, $0xFFFFF086  }
0x1c: {  	p1 =	slt.u32 s9, $0xF7A;
	s5 =	simm.s32 @!p2 $0x0  }
0x1d: {  	s5 =	simm.s32 @p1 $0x1;
	p0 =	seq.s32 s7, s2  }
0x1e: {  	s7 =	smul.u32 @!p0 $0xF7A, s2;
	p2 =	seq.s32 @!p0 s5, $0x0  }
0x1f: {  	s9 =	smul.u32 $0xF7A, s1;
	s8 =	simm.s32 @!p0 $0x1BF5;
	p2 =	por !p2, p0  }
0x20: {  	[sflag:s8] =	ssyncset.s32 @!p0 $0xFFFFF086;
	s6 =	sadd.s32 @!p0 s3, s7;
	s7 =	simm.s32 @!p0 $0x108  }
0x21: {  	s3 =	sadd.s32 s3, s9;
	s6 =	sadd.s32 @!p0 $0x88, s6;
	s7 =	simm.s32 @p2 $0x1082  }
0x22: {  	[simem:s7], [sflag:s8] =	dma.local @!p0 [hbm:s6], $0xF7A  }
0x23: {  	s9 =	sor.u32 $0xD0000000, s2;
	s6 =	simm.s32 $0x108;
	_ =	swait.ge @!p0 [sflag:s8], $0x0  }
0x24: {  	s3 =	sadd.s32 $0x88, s3;
	s6 =	simm.s32 @!p1 $0x1082;
	[sflag:s4] =	ssyncset.s32 $0xFFFFF086  }
0x25: {  	[simem:s6], [sflag:s4] =	dma.local [hbm:s3], $0xF7A  }
0x26: {  	[smem:$0x3F9F] =	sst s1;
	(tag) =	ssettag s2;
	_ =	strace s9  }
0x27: {  	s1 =	sld [smem:$0x3FAF]  }
0x28: {  	s2 =	sld [smem:$0x3FB0]  }
0x29: {  	s4 =	sld [smem:$0x3FB2]  }
0x2a: {  	p0 =	seq.s32 s5, $0x0;
	s5 =	sld [smem:$0x3FB3]  }
0x2b: {  	s6 =	sld [smem:$0x3FB4]  }
0x2c: {  	s7 =	sld [smem:$0x3FB5]  }
0x2d: {  	s3 =	simm.s32 $0x108;
	s8 =	sld [smem:$0x3FB6]  }
0x2e: {  	s3 =	simm.s32 @!p0 $0x1082;
	s9 =	sld [smem:$0x3FB7]  }
0x2f: {  	lr =	sadd.s32 s0, s3;
	s0 =	sld [smem:$0x3FAE]  }
0x30: {  	s3 =	sld [smem:$0x3FB1]  }
0x31: {  	[smem:$0x3FBA] =	sst s10  }
0x32: {  	s10 =	sld [smem:$0x3FB8];
	_ =	sdelay $0x3  }
0x33: {  	p0 =	seq.s32 s10, $0x1;
	s10 =	sld [smem:$0x3FBA];
	_ =	sdelay $0x3  }
0x34: {  	[smem:$0x3FBA] =	sst s10  }
0x35: {  	s10 =	sld [smem:$0x3FB9];
	_ =	sdelay $0x3  }
0x36: {  	p1 =	seq.s32 s10, $0x1;
	s10 =	sld [smem:$0x3FBA];
	_ =	sdelay $0x3  }
0x37: {  	[smem:$0x3FBA] =	sst s10  }
0x38: {  	s10 =	sld [smem:$0x3FBB]  }
0x39: {  	_ = 	snop;
	(pc) =	sbr.ind lr, $3  }
0x3a: {  	_ = 	snop  }
0x3b: {  	_ = 	snop  }
0x3c: {  	p2 =	seq.s32 s10, $0x1;
	s10 =	sld [smem:$0x3FBA]  }
0x3d: {  	_ =	shalt  }
0x3e: {  	_ =	shalt  }
0x3f: {  	_ =	shalt  }
0x40: {  	_ =	shalt  }
0x41: {  	_ =	shalt  }
0x42: {  	_ =	shalt  }
0x43: {  	_ =	shalt  }
0x44: {  	_ =	shalt  }
0x45: {  	_ =	shalt  }
0x46: {  	_ =	shalt  }
0x47: {  	_ =	shalt  }
0x48: {  	_ =	shalt  }
0x49: {  	_ =	shalt  }
0x4a: {  	_ =	shalt  }
0x4b: {  	_ =	shalt  }
0x4c: {  	_ =	shalt  }
0x4d: {  	_ =	shalt  }
0x4e: {  	_ =	shalt  }
0x4f: {  	_ =	shalt  }
0x50: {  	_ =	shalt  }
0x51: {  	_ =	shalt  }
0x52: {  	_ =	shalt  }
0x53: {  	_ =	shalt  }
0x54: {  	_ =	shalt  }
0x55: {  	_ =	shalt  }
0x56: {  	_ =	shalt  }
0x57: {  	_ =	shalt  }
0x58: {  	_ =	shalt  }
0x59: {  	_ =	shalt  }
0x5a: {  	_ =	shalt  }
0x5b: {  	_ =	shalt  }
0x5c: {  	_ =	shalt  }
0x5d: {  	_ =	shalt  }
0x5e: {  	_ =	shalt  }
0x5f: {  	_ =	shalt  }
0x60: {  	_ =	shalt  }
0x61: {  	_ =	shalt  }
0x62: {  	_ =	shalt  }
0x63: {  	_ =	shalt  }
0x64: {  	_ =	shalt  }
0x65: {  	_ =	shalt  }
0x66: {  	_ =	shalt  }
0x67: {  	_ =	shalt  }
0x68: {  	_ =	shalt  }
0x69: {  	_ =	shalt  }
0x6a: {  	_ =	shalt  }
0x6b: {  	_ =	shalt  }
0x6c: {  	_ =	shalt  }
0x6d: {  	_ =	shalt  }
0x6e: {  	_ =	shalt  }
0x6f: {  	_ =	shalt  }
0x70: {  	_ =	shalt  }
0x71: {  	_ =	shalt  }
0x72: {  	_ =	shalt  }
0x73: {  	_ =	shalt  }
0x74: {  	_ =	shalt  }
0x75: {  	_ =	shalt  }
0x76: {  	_ =	shalt  }
0x77: {  	_ =	shalt  }
0x78: {  	_ =	shalt  }
0x79: {  	_ =	shalt  }
0x7a: {  	_ =	shalt  }
0x7b: {  	_ =	shalt  }
0x7c: {  	_ =	shalt  }
0x7d: {  	_ =	shalt  }
0x7e: {  	_ =	shalt  }
0x7f: {  	_ =	shalt  }
0x80: {  	_ =	shalt  }
0x81: {  	_ =	shalt  }
0x82: {  	_ =	shalt  }
0x83: {  	_ =	shalt  }
0x84: {  	_ =	shalt  }
0x85: {  	_ =	shalt  }
0x86: {  	_ =	shalt  }
0x87: {  	_ =	shalt  }
.Lfunc_end0:
.L_simem_size_0:
called_computation_lowered:
.L_overlay_start_0:
0x88: {  	s2 =	sld [smem:$0x3FD9]  }
0x89: {  	s3 =	sld [smem:$0x3FFE];
	_ =	sdelay $0x1  }
0x8a: {  	s1 =	srdreg.scid  }
0x8b: {  	s0 =	sand.u32 $0x1, s1  }
0x8c: {  	s17 =	sshll.u32 s0, $0xA;
	s2 =	sadd.s32 s3, s2  }
0x8d: {  	s2 =	sadd.s32 s2, s17  }
0x8e: {  	[smem:$0x3FC6] =	sst s2  }
0x8f: {  	_ = 	snop  }
0x90: {  	s2 =	sld [smem:$0x3FD0];
	(tm) =	ssettm $0x1  }
0x91: {  	s18 =	sld [smem:$0x3FFB];
	_ =	sdelay $0x3  }
0x92: {  	_ =	strace s18  }
0x93: {  	s3 =	sld [smem:$0x3FFC];
	_ =	sdelay $0x3  }
0x94: {  	_ =	strace s3  }
0x95: {  	s3 =	sld [smem:$0x3FFD];
	_ =	sdelay $0x3  }
0x96: {  	_ =	strace s3  }
0x97: {  	_ =	strace $0x8FFFFFFF  }
0x98: {  	s19 =	sld [smem:$0x3FDB];
	_ =	sdelay $0x1  }
0x99: {  	s4 =	simm.s32 $_scs_section_size  }
0x9a: {  	s5 =	simm.s32 $_size__tile_overlayer_lowered;
	s6 =	simm.s32 $_tile_overlayer_lowered  }
0x9b: {  	s22 =	simm.s32 $0x1BFF;
	s21 =	sshll.u32 s6, $0x1;
	s3 =	sadd.s32 s4, s19  }
0x9c: {  	s7 =	simm.s32 $0x0;
	s20 =	sshll.u32 s5, $0x1;
	s5 =	sadd.s32 s21, s3  }
0x9d: {  	[timem:s7], [sflag:s22] =	dma.local [hbm:s5], s20  }
0x9e: {  	_ =	swait.ge [sflag:s22], s20  }
0x9f: {  	s4 =	ssub.s32 $0x0, s20;
	[sflag:s22] =	ssyncset.done $0x0  }
0xa0: {  	[sflag:s22] =	ssyncadd.s32 s4;
	_ =	sdelay $0x1  }
0xa1: {  	s23 =	simm.s32 $0x1B8B  }
0xa2: {  	_ =	swait.ge [sflag:s23], $0x1  }
0xa3: {  	[sflag:s23] =	ssyncset.done $0x0  }
0xa4: {  	s25 =	simm.s32 $0x1B8E;
	s24 =	sld [smem:$0x3FFE];
	[sflag:s23] =	ssyncadd.s32 $0xFFFFFFFF  }
0xa5: {  	s26 =	simm.s32 $execute0_lowered;
	[smem:$0x3FD2] =	sst s25  }
0xa6: {  	s5 =	sshll.u32 s26, $0x1;
	_ =	strace $0x80000046;
	[dreg:$0x1] =	wrdreg $0xFFFFFFFF  }
0xa7: {  	s28 =	simm.s32 $_size_execute0_lowered;
	s3 =	sadd.s32 s3, s5;
	[dreg:$0x0] =	wrdreg $0x0  }
0xa8: {  	s5 =	sshll.u32 s28, $0x1;
	[dreg:$0x2] =	wrdreg s3  }
0xa9: {  	[dreg:$0x3] =	wrdreg s5  }
0xaa: {  	[dreg:$0x4] =	wrdreg $0xC0  }
0xab: {  	_ =	task [dreg:s7], $0x5FFFF  }
0xac: {  	[dreg:$0x1] =	wrdreg $0xFFFFFFFF  }
0xad: {  	[dreg:$0x0] =	wrdreg $0x60  }
0xae: {  	[dreg:$0x2] =	wrdreg s24  }
0xaf: {  	[dreg:$0x3] =	wrdreg s2  }
0xb0: {  	[dreg:$0x4] =	wrdreg $0x9  }
0xb1: {  	_ =	task.clear_ibuf [dreg:s7], $0x5FFFF;
	_ =	strace $0x90000046  }
0xb2: {  	s29 =	simm.s32 $0x9;
	_ =	strace $0x80000048  }
0xb3: {  	_ =	swait.ge [sflag:s29], $0x1  }
0xb4: {  	[sflag:s29] =	ssyncadd.s32 $0xFFFFFFFF  }
0xb5: {  	_ =	strace $0x90000048  }
0xb6: {  	_ =	sfence  }
0xb7: {  	s30 =	sld [smem:$0x0];
	_ =	sdelay $0x2  }
0xb8: {  	s31 =	sshll.u32 s1, $0xD;
	s1 =	sshrl.u32 s1, $0x2  }
0xb9: {  	s3 =	sand.u32 $0x4000, s31;
	s1 =	sadd.s32 s1, s30  }
0xba: {  	s0 =	sor.u32 s3, s0;
	s1 =	sshll.u32 s1, $0x11  }
0xbb: {  	s0 =	sor.u32 s1, s0  }
0xbc: {  	s0 =	sadd.s32 $0x8F2B, s0  }
0xbd: {  	[sflag:s0] =	ssyncadd.remote.s32 $0x1  }
0xbe: {  	_ =	sfence.sel $0xFFFF  }
0xbf: {  	[dreg:$0x0] =	wrdreg $0xFFFFFFFF;
	(pc) =	sbr.abs _section_cstart, $3  }
0xc0: {  	[dreg:$0x1] =	wrdreg $0xFFFFFFFF  }
0xc1: {  	_ =	task.clear_ibuf [dreg:s7], $0x2FFFF;
	_ =	strace $0x9FFFFFFF  }
0xc2: {  	(tm) =	ssettm $0x7FFFFFFF  }
0xc3: {  	_ =	shalt  }
tec
execute0_lowered:
.L_overlay_start_1:
0x0: {  	(tag) =	ssettag $0x1  }
0x1: {  	s0 =	rddreg [dreg:$0x0]  }
0x2: {  	s1 =	rddreg [dreg:$0x1]  }
0x3: {  	s2 =	simm.s32 $0x0;
	s3 =	srdreg.scid;
	s5 =	stileid.u32  }
0x4: {  	[smem:$0x7FF] =	sst s2;
	s3 =	sand.u32 $0x1, s3;
	s5 =	sshll.u32 s5, $0x7  }
0x5: {  	s6 =	sadd.s32 $0x1A1200, s0;
	s4 =	ssub.s32 $0x2, s3;
	s3 =	sshll.u32 s3, $0x6  }
0x6: {  	s28 =	sadd.s32 $0x101200, s0;
	s7 =	sshrl.u32 s4, $0x1;
	s3 =	sor.u32 s3, s5  }
0x7: {  	_ =	strace $0x80000047;
	s12 =	ssub.s32 s4, s7;
	s15 =	sadd.s32 s6, s3  }
0x8: {  	s16 =	sadd.s32 s1, s3;
	s4 =	sor.u32 $0x800, s3;
	[dreg:$0x3] =	wrdreg s15  }
0x9: {  	s5 =	sor.u32 $0x1000, s3;
	[dreg:$0x4] =	wrdreg s16;
	s17 =	sadd.s32 s1, s4  }
0xa: {  	s19 =	sor.u32 $0x1800, s3;
	s18 =	sadd.s32 s1, s5;
	[dreg:$0x5] =	wrdreg s17  }
0xb: {  	s20 =	sor.u32 $0x2000, s3;
	s8 =	sadd.s32 s1, s19;
	[dreg:$0x6] =	wrdreg s18  }
0xc: {  	s9 =	sor.u32 $0x2800, s3;
	s10 =	sadd.s32 s1, s20;
	[dreg:$0x7] =	wrdreg s8  }
0xd: {  	s11 =	sor.u32 $0x3800, s3;
	s21 =	sadd.s32 s1, s9;
	[dreg:$0x8] =	wrdreg s10  }
0xe: {  	s13 =	sor.u32 $0x4000, s3;
	s23 =	sadd.s32 s1, s11;
	[dreg:$0x9] =	wrdreg s21  }
0xf: {  	s14 =	sor.u32 $0x4800, s3;
	s24 =	sadd.s32 s1, s13;
	[dreg:$0xb] =	wrdreg s23  }
0x10: {  	s30 =	sadd.s32 $0x121200, s0;
	s25 =	sadd.s32 s1, s14;
	[dreg:$0xc] =	wrdreg s24  }
0x11: {  	s31 =	sadd.s32 $0x141200, s0;
	s4 =	sadd.s32 s6, s4;
	[dreg:$0xd] =	wrdreg s25  }
0x12: {  	s22 =	sor.u32 $0x3000, s3;
	s5 =	sadd.s32 s6, s5;
	[dreg:$0x11] =	wrdreg s4  }
0x13: {  	s15 =	sor.u32 $0x5000, s3;
	s17 =	sadd.s32 s1, s22;
	[dreg:$0x12] =	wrdreg s5  }
0x14: {  	s16 =	sor.u32 $0x5800, s3;
	s26 =	sadd.s32 s1, s15;
	[dreg:$0xa] =	wrdreg s17  }
0x15: {  	s3 =	sor.u32 $0x6000, s3;
	s29 =	sadd.s32 s1, s16;
	[dreg:$0xe] =	wrdreg s26  }
0x16: {  	s7 =	sadd.s32 $0x61200, s0;
	s1 =	sadd.s32 s1, s3;
	[dreg:$0xf] =	wrdreg s29  }
0x17: {  	s18 =	sadd.s32 s6, s20;
	s20 =	sadd.s32 s6, s22;
	[dreg:$0x10] =	wrdreg s1  }
0x18: {  	s21 =	sadd.s32 s6, s11;
	s22 =	sadd.s32 s6, s13;
	[dreg:$0x14] =	wrdreg s18  }
0x19: {  	s23 =	sadd.s32 s6, s14;
	s24 =	sadd.s32 s6, s15;
	[dreg:$0x16] =	wrdreg s20  }
0x1a: {  	s25 =	sadd.s32 s6, s16;
	s4 =	sadd.s32 $0x1200, s0;
	[dreg:$0x17] =	wrdreg s21  }
0x1b: {  	s5 =	sadd.s32 $0x21200, s0;
	s8 =	sadd.s32 $0x81200, s0;
	[dreg:$0x18] =	wrdreg s22  }
0x1c: {  	s10 =	sadd.s32 $0xC1200, s0;
	s11 =	sadd.s32 $0xE1200, s0;
	[dreg:$0x19] =	wrdreg s23  }
0x1d: {  	s14 =	simm.s32 $0x80;
	s13 =	simm.s32 $0x4C00;
	[dreg:$0x1a] =	wrdreg s24  }
0x1e: {  	s17 =	sadd.s32 s6, s19;
	s19 =	sadd.s32 s6, s9;
	[dreg:$0x1b] =	wrdreg s25  }
0x1f: {  	s26 =	sadd.s32 s6, s3;
	s1 =	sadd.s32 $0x161200, s0;
	[dreg:$0x13] =	wrdreg s17  }
0x20: {  	s3 =	sadd.s32 $0x181200, s0;
	s6 =	sadd.s32 $0x41200, s0;
	[dreg:$0x15] =	wrdreg s19  }
0x21: {  	s9 =	sadd.s32 $0xA1200, s0;
	s29 =	smax.u32 s12, $0x1;
	[dreg:$0x1c] =	wrdreg s26  }
0x22: {  	s0 =	simm.s32 $0x1;
	s12 =	simm.s32 $0x0;
	[dreg:$0x1d] =	wrdreg s29  }
.LBB2_1:
0x23: {  	s15 =	rddreg [dreg:$0x4]  }
0x24: {  	[tilespmem:s2], [sflag:$0x1] =	stream.linear.gather [hbm4b:s15+s2], $0x200, $0x38;
	[tilespmem:$0x4E00] =	vst v63  }
0x25: {  	s17 =	rddreg [dreg:$0x5];
	s16 =	simm.s32 $0x200  }
0x26: {  	[tilespmem:s16], [sflag:$0x1] =	stream.linear.gather [hbm4b:s17+s2], $0x200, $0x38;
	[tilespmem:$0x4E00] =	vst v63  }
0x27: {  	s18 =	rddreg [dreg:$0x6];
	s19 =	simm.s32 $0x400  }
0x28: {  	[tilespmem:s19], [sflag:$0x1] =	stream.linear.gather [hbm4b:s18+s2], $0x200, $0x38;
	[tilespmem:$0x4E00] =	vst v63  }
0x29: {  	s20 =	rddreg [dreg:$0x7];
	s21 =	simm.s32 $0x600  }
0x2a: {  	[tilespmem:s21], [sflag:$0x1] =	stream.linear.gather [hbm4b:s20+s2], $0x200, $0x38;
	[tilespmem:$0x4E00] =	vst v63  }
0x2b: {  	s22 =	rddreg [dreg:$0x8];
	s23 =	simm.s32 $0x800  }
0x2c: {  	[tilespmem:s23], [sflag:$0x1] =	stream.linear.gather [hbm4b:s22+s2], $0x200, $0x38;
	[tilespmem:$0x4E00] =	vst v63  }
0x2d: {  	s24 =	rddreg [dreg:$0x9];
	s25 =	simm.s32 $0xA00  }
0x2e: {  	[tilespmem:s25], [sflag:$0x1] =	stream.linear.gather [hbm4b:s24+s2], $0x200, $0x38;
	[tilespmem:$0x4E00] =	vst v63  }
0x2f: {  	s26 =	rddreg [dreg:$0xa];
	s29 =	simm.s32 $0xC00  }
0x30: {  	[tilespmem:s29], [sflag:$0x1] =	stream.linear.gather [hbm4b:s26+s2], $0x200, $0x38;
	[tilespmem:$0x4E00] =	vst v63  }
0x31: {  	s16 =	rddreg [dreg:$0xb];
	s17 =	simm.s32 $0xE00  }
0x32: {  	[tilespmem:s17], [sflag:$0x1] =	stream.linear.gather [hbm4b:s16+s2], $0x200, $0x38;
	[tilespmem:$0x4E00] =	vst v63  }
0x33: {  	s18 =	rddreg [dreg:$0xc];
	s19 =	simm.s32 $0x1000  }
0x34: {  	[tilespmem:s19], [sflag:$0x1] =	stream.linear.gather [hbm4b:s18+s2], $0x200, $0x38;
	[tilespmem:$0x4E00] =	vst v63  }
0x35: {  	s20 =	rddreg [dreg:$0xd];
	s21 =	simm.s32 $0x1200  }
0x36: {  	[tilespmem:s21], [sflag:$0x1] =	stream.linear.gather [hbm4b:s20+s2], $0x200, $0x38;
	[tilespmem:$0x4E00] =	vst v63  }
0x37: {  	s22 =	rddreg [dreg:$0xe];
	s23 =	simm.s32 $0x1400  }
0x38: {  	[tilespmem:s23], [sflag:$0x1] =	stream.linear.gather [hbm4b:s22+s2], $0x200, $0x38;
	[tilespmem:$0x4E00] =	vst v63  }
0x39: {  	s24 =	rddreg [dreg:$0xf];
	s25 =	simm.s32 $0x1600  }
0x3a: {  	[tilespmem:s25], [sflag:$0x1] =	stream.linear.gather [hbm4b:s24+s2], $0x200, $0x38;
	[tilespmem:$0x4E00] =	vst v63  }
0x3b: {  	s26 =	rddreg [dreg:$0x10];
	s29 =	simm.s32 $0x1800  }
0x3c: {  	[tilespmem:s29], [sflag:$0x1] =	stream.linear.gather [hbm4b:s26+s2], $0x200, $0x38;
	[tilespmem:$0x4E00] =	vst v63  }
0x3d: {  	_ =	swait.ge [sflag:s0], $0x1A00  }
0x3e: {  	[sflag:s0] =	ssyncset.done $0x0  }
0x3f: {  	s15 =	simm.s32 $0x0;
	[sflag:s0] =	ssyncadd.s32 $0xFFFFE600  }
0x40: {  	s16 =	simm.s32 $0x40;
	v0 =	vld [tilespmem:s15+$0x0]  }
.LBB2_2:
0x41: {  	_ =	sdelay $0x1  }
0x42: {  	p0 =	sne.s32 s16, $0x67C0  }
.Ltmp0:
0x43: {  	_ = 	snop;
	(pc) =	sbr.rel @p0 .LBB2_2-.Ltmp0, $4  }
0x44: {  	v1 =	vtrunc.f32 v0  }
0x45: {  	v1 =	vcvt.f32.s32 v1  }
0x46: {  	s17 =	sshra.s32 s16, $0x2  }
0x47: {  	s16 =	sadd.s32 $0x40, s16;
	v0 =	vld [tilespmem:s17+$0x0];
	[tilespmem:s15+$0x1A00] =	vst v1;
	s15 =	smov.u32 s17  }
0x48: {  	_ =	sdelay $0x3  }
0x49: {  	v0 =	vtrunc.f32 v0  }
0x4a: {  	v0 =	vcvt.f32.s32 v0;
	_ =	sdelay $0x1  }
0x4b: {  	s29 =	simm.s32 $0x1A00;
	s16 =	simm.s32 $0x3400;
	[tilespmem:s15+$0x1A00] =	vst v0  }
0x4c: {  	[tilespmem:s16], [sflag:$0x2] =	stream.indirect.gather [hbm4b:s28+s14], $0x1, s29, s14, $0xb8;
	[tilespmem:$0x4E00] =	vst v63  }
0x4d: {  	s0 =	simm.s32 $0x1A80;
	s17 =	simm.s32 $0x3480  }
0x4e: {  	[tilespmem:s17], [sflag:$0x2] =	stream.indirect.gather [hbm4b:s28+s14], $0x1, s0, s14, $0xb8;
	[tilespmem:$0x4E00] =	vst v63  }
0x4f: {  	s18 =	simm.s32 $0x3500;
	s17 =	simm.s32 $0x1B00  }
0x50: {  	[tilespmem:s18], [sflag:$0x2] =	stream.indirect.gather [hbm4b:s28+s14], $0x1, s17, s14, $0xb8;
	[tilespmem:$0x4E00] =	vst v63  }
0x51: {  	s19 =	simm.s32 $0x1B80;
	s20 =	simm.s32 $0x3580  }
0x52: {  	[tilespmem:s20], [sflag:$0x2] =	stream.indirect.gather [hbm4b:s28+s14], $0x1, s19, s14, $0xb8;
	[tilespmem:$0x4E00] =	vst v63  }
0x53: {  	s21 =	simm.s32 $0x1C00;
	s17 =	simm.s32 $0x3600  }
0x54: {  	[tilespmem:s17], [sflag:$0x2] =	stream.indirect.gather [hbm4b:s30+s14], $0x1, s21, s14, $0xb8;
	[tilespmem:$0x4E00] =	vst v63  }
0x55: {  	s22 =	simm.s32 $0x1C80;
	s18 =	simm.s32 $0x3680  }
0x56: {  	[tilespmem:s18], [sflag:$0x2] =	stream.indirect.gather [hbm4b:s30+s14], $0x1, s22, s14, $0xb8;
	[tilespmem:$0x4E00] =	vst v63  }
0x57: {  	s23 =	simm.s32 $0x1D00;
	s24 =	simm.s32 $0x3700  }
0x58: {  	[tilespmem:s24], [sflag:$0x2] =	stream.indirect.gather [hbm4b:s30+s14], $0x1, s23, s14, $0xb8;
	[tilespmem:$0x4E00] =	vst v63  }
0x59: {  	s25 =	simm.s32 $0x1D80;
	s26 =	simm.s32 $0x3780  }
0x5a: {  	[tilespmem:s26], [sflag:$0x2] =	stream.indirect.gather [hbm4b:s30+s14], $0x1, s25, s14, $0xb8;
	[tilespmem:$0x4E00] =	vst v63  }
0x5b: {  	s29 =	simm.s32 $0x1E00;
	s18 =	simm.s32 $0x3800  }
0x5c: {  	[tilespmem:s18], [sflag:$0x2] =	stream.indirect.gather [hbm4b:s31+s14], $0x1, s29, s14, $0xb8;
	[tilespmem:$0x4E00] =	vst v63  }
0x5d: {  	s0 =	simm.s32 $0x1E80;
	s19 =	simm.s32 $0x3880  }
0x5e: {  	[tilespmem:s19], [sflag:$0x2] =	stream.indirect.gather [hbm4b:s31+s14], $0x1, s0, s14, $0xb8;
	[tilespmem:$0x4E00] =	vst v63  }
0x5f: {  	s20 =	simm.s32 $0x3900;
	s19 =	simm.s32 $0x1F00  }
0x60: {  	[tilespmem:s20], [sflag:$0x2] =	stream.indirect.gather [hbm4b:s31+s14], $0x1, s19, s14, $0xb8;
	[tilespmem:$0x4E00] =	vst v63  }
0x61: {  	s21 =	simm.s32 $0x1F80;
	s22 =	simm.s32 $0x3980  }
0x62: {  	[tilespmem:s22], [sflag:$0x2] =	stream.indirect.gather [hbm4b:s31+s14], $0x1, s21, s14, $0xb8;
	[tilespmem:$0x4E00] =	vst v63  }
0x63: {  	s23 =	simm.s32 $0x2000;
	s19 =	simm.s32 $0x3A00  }
0x64: {  	[tilespmem:s19], [sflag:$0x2] =	stream.indirect.gather [hbm4b:s1+s14], $0x1, s23, s14, $0xb8;
	[tilespmem:$0x4E00] =	vst v63  }
0x65: {  	s24 =	simm.s32 $0x2080;
	s20 =	simm.s32 $0x3A80  }
0x66: {  	[tilespmem:s20], [sflag:$0x2] =	stream.indirect.gather [hbm4b:s1+s14], $0x1, s24, s14, $0xb8;
	[tilespmem:$0x4E00] =	vst v63  }
0x67: {  	s25 =	simm.s32 $0x2100;
	s26 =	simm.s32 $0x3B00  }
0x68: {  	[tilespmem:s26], [sflag:$0x2] =	stream.indirect.gather [hbm4b:s1+s14], $0x1, s25, s14, $0xb8;
	[tilespmem:$0x4E00] =	vst v63  }
0x69: {  	s29 =	simm.s32 $0x2180;
	s0 =	simm.s32 $0x3B80  }
0x6a: {  	[tilespmem:s0], [sflag:$0x2] =	stream.indirect.gather [hbm4b:s1+s14], $0x1, s29, s14, $0xb8;
	[tilespmem:$0x4E00] =	vst v63  }
0x6b: {  	s21 =	simm.s32 $0x2200;
	s20 =	simm.s32 $0x3C00  }
0x6c: {  	[tilespmem:s20], [sflag:$0x2] =	stream.indirect.gather [hbm4b:s3+s14], $0x1, s21, s14, $0xb8;
	[tilespmem:$0x4E00] =	vst v63  }
0x6d: {  	s22 =	simm.s32 $0x2280;
	s21 =	simm.s32 $0x3C80  }
0x6e: {  	[tilespmem:s21], [sflag:$0x2] =	stream.indirect.gather [hbm4b:s3+s14], $0x1, s22, s14, $0xb8;
	[tilespmem:$0x4E00] =	vst v63  }
0x6f: {  	s23 =	simm.s32 $0x2300;
	s24 =	simm.s32 $0x3D00  }
0x70: {  	[tilespmem:s24], [sflag:$0x2] =	stream.indirect.gather [hbm4b:s3+s14], $0x1, s23, s14, $0xb8;
	[tilespmem:$0x4E00] =	vst v63  }
0x71: {  	s25 =	simm.s32 $0x2380;
	s26 =	simm.s32 $0x3D80  }
0x72: {  	[tilespmem:s26], [sflag:$0x2] =	stream.indirect.gather [hbm4b:s3+s14], $0x1, s25, s14, $0xb8;
	[tilespmem:$0x4E00] =	vst v63  }
0x73: {  	s29 =	simm.s32 $0x2400;
	s21 =	simm.s32 $0x3E00  }
0x74: {  	[tilespmem:s21], [sflag:$0x2] =	stream.indirect.gather [hbm4b:s4+s14], $0x1, s29, s14, $0xb8;
	[tilespmem:$0x4E00] =	vst v63  }
0x75: {  	s0 =	simm.s32 $0x2480;
	s22 =	simm.s32 $0x3E80  }
0x76: {  	[tilespmem:s22], [sflag:$0x2] =	stream.indirect.gather [hbm4b:s4+s14], $0x1, s0, s14, $0xb8;
	[tilespmem:$0x4E00] =	vst v63  }
0x77: {  	s23 =	simm.s32 $0x2500;
	s24 =	simm.s32 $0x3F00  }
0x78: {  	[tilespmem:s24], [sflag:$0x2] =	stream.indirect.gather [hbm4b:s4+s14], $0x1, s23, s14, $0xb8;
	[tilespmem:$0x4E00] =	vst v63  }
0x79: {  	s25 =	simm.s32 $0x2580;
	s26 =	simm.s32 $0x3F80  }
0x7a: {  	[tilespmem:s26], [sflag:$0x2] =	stream.indirect.gather [hbm4b:s4+s14], $0x1, s25, s14, $0xb8;
	[tilespmem:$0x4E00] =	vst v63  }
0x7b: {  	s29 =	simm.s32 $0x2600;
	s22 =	simm.s32 $0x4000  }
0x7c: {  	[tilespmem:s22], [sflag:$0x2] =	stream.indirect.gather [hbm4b:s5+s14], $0x1, s29, s14, $0xb8;
	[tilespmem:$0x4E00] =	vst v63  }
0x7d: {  	s0 =	simm.s32 $0x2680;
	s23 =	simm.s32 $0x4080  }
0x7e: {  	[tilespmem:s23], [sflag:$0x2] =	stream.indirect.gather [hbm4b:s5+s14], $0x1, s0, s14, $0xb8;
	[tilespmem:$0x4E00] =	vst v63  }
0x7f: {  	s24 =	simm.s32 $0x4100;
	s23 =	simm.s32 $0x2700  }
0x80: {  	[tilespmem:s24], [sflag:$0x2] =	stream.indirect.gather [hbm4b:s5+s14], $0x1, s23, s14, $0xb8;
	[tilespmem:$0x4E00] =	vst v63  }
0x81: {  	s25 =	simm.s32 $0x2780;
	s26 =	simm.s32 $0x4180  }
0x82: {  	[tilespmem:s26], [sflag:$0x2] =	stream.indirect.gather [hbm4b:s5+s14], $0x1, s25, s14, $0xb8;
	[tilespmem:$0x4E00] =	vst v63  }
0x83: {  	s29 =	simm.s32 $0x2800;
	s23 =	simm.s32 $0x4200  }
0x84: {  	[tilespmem:s23], [sflag:$0x2] =	stream.indirect.gather [hbm4b:s6+s14], $0x1, s29, s14, $0xb8;
	[tilespmem:$0x4E00] =	vst v63  }
0x85: {  	s0 =	simm.s32 $0x2880;
	s24 =	simm.s32 $0x4280  }
0x86: {  	[tilespmem:s24], [sflag:$0x2] =	stream.indirect.gather [hbm4b:s6+s14], $0x1, s0, s14, $0xb8;
	[tilespmem:$0x4E00] =	vst v63  }
0x87: {  	s25 =	simm.s32 $0x2900;
	s26 =	simm.s32 $0x4300  }
0x88: {  	[tilespmem:s26], [sflag:$0x2] =	stream.indirect.gather [hbm4b:s6+s14], $0x1, s25, s14, $0xb8;
	[tilespmem:$0x4E00] =	vst v63  }
0x89: {  	s29 =	simm.s32 $0x2980;
	s0 =	simm.s32 $0x4380  }
0x8a: {  	[tilespmem:s0], [sflag:$0x2] =	stream.indirect.gather [hbm4b:s6+s14], $0x1, s29, s14, $0xb8;
	[tilespmem:$0x4E00] =	vst v63  }
0x8b: {  	s24 =	simm.s32 $0x4400;
	s25 =	simm.s32 $0x2A00  }
0x8c: {  	[tilespmem:s24], [sflag:$0x2] =	stream.indirect.gather [hbm4b:s7+s14], $0x1, s25, s14, $0xb8;
	[tilespmem:$0x4E00] =	vst v63  }
0x8d: {  	s26 =	simm.s32 $0x2A80;
	s25 =	simm.s32 $0x4480  }
0x8e: {  	[tilespmem:s25], [sflag:$0x2] =	stream.indirect.gather [hbm4b:s7+s14], $0x1, s26, s14, $0xb8;
	[tilespmem:$0x4E00] =	vst v63  }
0x8f: {  	s29 =	simm.s32 $0x2B00;
	s0 =	simm.s32 $0x4500  }
0x90: {  	[tilespmem:s0], [sflag:$0x2] =	stream.indirect.gather [hbm4b:s7+s14], $0x1, s29, s14, $0xb8;
	[tilespmem:$0x4E00] =	vst v63  }
0x91: {  	s25 =	simm.s32 $0x2B80;
	s26 =	simm.s32 $0x4580  }
0x92: {  	[tilespmem:s26], [sflag:$0x2] =	stream.indirect.gather [hbm4b:s7+s14], $0x1, s25, s14, $0xb8;
	[tilespmem:$0x4E00] =	vst v63  }
0x93: {  	s29 =	simm.s32 $0x2C00;
	s25 =	simm.s32 $0x4600  }
0x94: {  	[tilespmem:s25], [sflag:$0x2] =	stream.indirect.gather [hbm4b:s8+s14], $0x1, s29, s14, $0xb8;
	[tilespmem:$0x4E00] =	vst v63  }
0x95: {  	s0 =	simm.s32 $0x2C80;
	s26 =	simm.s32 $0x4680  }
0x96: {  	[tilespmem:s26], [sflag:$0x2] =	stream.indirect.gather [hbm4b:s8+s14], $0x1, s0, s14, $0xb8;
	[tilespmem:$0x4E00] =	vst v63  }
0x97: {  	s29 =	simm.s32 $0x2D00;
	s0 =	simm.s32 $0x4700  }
0x98: {  	[tilespmem:s0], [sflag:$0x2] =	stream.indirect.gather [hbm4b:s8+s14], $0x1, s29, s14, $0xb8;
	[tilespmem:$0x4E00] =	vst v63  }
0x99: {  	s29 =	simm.s32 $0x2D80;
	s0 =	simm.s32 $0x4780  }
0x9a: {  	[tilespmem:s0], [sflag:$0x2] =	stream.indirect.gather [hbm4b:s8+s14], $0x1, s29, s14, $0xb8;
	[tilespmem:$0x4E00] =	vst v63  }
0x9b: {  	s26 =	simm.s32 $0x4800;
	s29 =	simm.s32 $0x2E00  }
0x9c: {  	[tilespmem:s26], [sflag:$0x2] =	stream.indirect.gather [hbm4b:s9+s14], $0x1, s29, s14, $0xb8;
	[tilespmem:$0x4E00] =	vst v63  }
0x9d: {  	s0 =	simm.s32 $0x2E80;
	s29 =	simm.s32 $0x4880  }
0x9e: {  	[tilespmem:s29], [sflag:$0x2] =	stream.indirect.gather [hbm4b:s9+s14], $0x1, s0, s14, $0xb8;
	[tilespmem:$0x4E00] =	vst v63  }
0x9f: {  	s15 =	simm.s32 $0x2F00;
	s0 =	simm.s32 $0x4900  }
0xa0: {  	[tilespmem:s0], [sflag:$0x2] =	stream.indirect.gather [hbm4b:s9+s14], $0x1, s15, s14, $0xb8;
	[tilespmem:$0x4E00] =	vst v63  }
0xa1: {  	s15 =	simm.s32 $0x2F80;
	s0 =	simm.s32 $0x4980  }
0xa2: {  	[tilespmem:s0], [sflag:$0x2] =	stream.indirect.gather [hbm4b:s9+s14], $0x1, s15, s14, $0xb8;
	[tilespmem:$0x4E00] =	vst v63  }
0xa3: {  	s29 =	simm.s32 $0x4A00;
	s0 =	simm.s32 $0x3000  }
0xa4: {  	[tilespmem:s29], [sflag:$0x2] =	stream.indirect.gather [hbm4b:s10+s14], $0x1, s0, s14, $0xb8;
	[tilespmem:$0x4E00] =	vst v63  }
0xa5: {  	s15 =	simm.s32 $0x3080;
	s0 =	simm.s32 $0x4A80  }
0xa6: {  	[tilespmem:s0], [sflag:$0x2] =	stream.indirect.gather [hbm4b:s10+s14], $0x1, s15, s14, $0xb8;
	[tilespmem:$0x4E00] =	vst v63  }
0xa7: {  	s0 =	simm.s32 $0x3100;
	s15 =	simm.s32 $0x4B00  }
0xa8: {  	[tilespmem:s15], [sflag:$0x2] =	stream.indirect.gather [hbm4b:s10+s14], $0x1, s0, s14, $0xb8;
	[tilespmem:$0x4E00] =	vst v63  }
0xa9: {  	s0 =	simm.s32 $0x3180;
	s15 =	simm.s32 $0x4B80  }
0xaa: {  	[tilespmem:s15], [sflag:$0x2] =	stream.indirect.gather [hbm4b:s10+s14], $0x1, s0, s14, $0xb8;
	[tilespmem:$0x4E00] =	vst v63  }
0xab: {  	s15 =	simm.s32 $0x3200  }
0xac: {  	[tilespmem:s13], [sflag:$0x2] =	stream.indirect.gather [hbm4b:s11+s14], $0x1, s15, s14, $0xb8;
	[tilespmem:$0x4E00] =	vst v63  }
0xad: {  	s0 =	simm.s32 $0x3280;
	s15 =	simm.s32 $0x4C80  }
0xae: {  	[tilespmem:s15], [sflag:$0x2] =	stream.indirect.gather [hbm4b:s11+s14], $0x1, s0, s14, $0xb8;
	[tilespmem:$0x4E00] =	vst v63  }
0xaf: {  	s0 =	simm.s32 $0x3300;
	s15 =	simm.s32 $0x4D00  }
0xb0: {  	[tilespmem:s15], [sflag:$0x2] =	stream.indirect.gather [hbm4b:s11+s14], $0x1, s0, s14, $0xb8;
	[tilespmem:$0x4E00] =	vst v63  }
0xb1: {  	s0 =	simm.s32 $0x3380;
	s15 =	simm.s32 $0x4D80  }
0xb2: {  	[tilespmem:s15], [sflag:$0x2] =	stream.indirect.gather [hbm4b:s11+s14], $0x1, s0, s14, $0xb8;
	[tilespmem:$0x4E00] =	vst v63  }
0xb3: {  	s15 =	simm.s32 $0x2  }
0xb4: {  	_ =	swait.ge [sflag:s15], $0x1A00  }
0xb5: {  	[sflag:s15] =	ssyncset.done $0x0  }
0xb6: {  	s0 =	rddreg [dreg:$0x3];
	[sflag:s15] =	ssyncadd.s32 $0xFFFFE600  }
0xb7: {  	[hbm4b:s0+s2] =	stream.linear.scatter [tilespmem:s16], [sflag:$0x1], $0x200, $0x38;
	[tilespmem:$0x4E00] =	vst v63  }
0xb8: {  	s0 =	rddreg [dreg:$0x11]  }
0xb9: {  	[hbm4b:s0+s2] =	stream.linear.scatter [tilespmem:s17], [sflag:$0x1], $0x200, $0x38;
	[tilespmem:$0x4E00] =	vst v63  }
0xba: {  	s16 =	rddreg [dreg:$0x12]  }
0xbb: {  	[hbm4b:s16+s2] =	stream.linear.scatter [tilespmem:s18], [sflag:$0x1], $0x200, $0x38;
	[tilespmem:$0x4E00] =	vst v63  }
0xbc: {  	s17 =	rddreg [dreg:$0x13]  }
0xbd: {  	[hbm4b:s17+s2] =	stream.linear.scatter [tilespmem:s19], [sflag:$0x1], $0x200, $0x38;
	[tilespmem:$0x4E00] =	vst v63  }
0xbe: {  	s18 =	rddreg [dreg:$0x14]  }
0xbf: {  	[hbm4b:s18+s2] =	stream.linear.scatter [tilespmem:s20], [sflag:$0x1], $0x200, $0x38;
	[tilespmem:$0x4E00] =	vst v63  }
0xc0: {  	s19 =	rddreg [dreg:$0x15]  }
0xc1: {  	[hbm4b:s19+s2] =	stream.linear.scatter [tilespmem:s21], [sflag:$0x1], $0x200, $0x38;
	[tilespmem:$0x4E00] =	vst v63  }
0xc2: {  	s20 =	rddreg [dreg:$0x16]  }
0xc3: {  	[hbm4b:s20+s2] =	stream.linear.scatter [tilespmem:s22], [sflag:$0x1], $0x200, $0x38;
	[tilespmem:$0x4E00] =	vst v63  }
0xc4: {  	s21 =	rddreg [dreg:$0x17]  }
0xc5: {  	[hbm4b:s21+s2] =	stream.linear.scatter [tilespmem:s23], [sflag:$0x1], $0x200, $0x38;
	[tilespmem:$0x4E00] =	vst v63  }
0xc6: {  	s22 =	rddreg [dreg:$0x18]  }
0xc7: {  	[hbm4b:s22+s2] =	stream.linear.scatter [tilespmem:s24], [sflag:$0x1], $0x200, $0x38;
	[tilespmem:$0x4E00] =	vst v63  }
0xc8: {  	s23 =	rddreg [dreg:$0x19]  }
0xc9: {  	[hbm4b:s23+s2] =	stream.linear.scatter [tilespmem:s25], [sflag:$0x1], $0x200, $0x38;
	[tilespmem:$0x4E00] =	vst v63  }
0xca: {  	s24 =	rddreg [dreg:$0x1a]  }
0xcb: {  	[hbm4b:s24+s2] =	stream.linear.scatter [tilespmem:s26], [sflag:$0x1], $0x200, $0x38;
	[tilespmem:$0x4E00] =	vst v63  }
0xcc: {  	s25 =	rddreg [dreg:$0x1b]  }
0xcd: {  	[hbm4b:s25+s2] =	stream.linear.scatter [tilespmem:s29], [sflag:$0x1], $0x200, $0x38;
	[tilespmem:$0x4E00] =	vst v63  }
0xce: {  	s0 =	simm.s32 $0x1;
	s26 =	rddreg [dreg:$0x1c]  }
0xcf: {  	[hbm4b:s26+s2] =	stream.linear.scatter [tilespmem:s13], [sflag:$0x1], $0x200, $0x38;
	[tilespmem:$0x4E00] =	vst v63  }
0xd0: {  	_ =	swait.ge [sflag:s0], $0x1A00  }
0xd1: {  	s12 =	sadd.s32 $0x1, s12;
	s29 =	rddreg [dreg:$0x1d]  }
0xd2: {  	p0 =	sne.s32 s12, s29  }
.Ltmp1:
0xd3: {  	_ = 	snop;
	(pc) =	sbr.rel @p0 .LBB2_1-.Ltmp1, $3  }
0xd4: {  	_ =	sdelay $0x1  }
0xd5: {  	[sflag:s0] =	ssyncset.done $0x0  }
0xd6: {  	[sflag:s0] =	ssyncadd.s32 $0xFFFFE600  }
0xd7: {  	_ =	sfence.sel $0x180000  }
0xd8: {  	[bflag:$0x0] =	sbarrier.arrive $0xFFFF  }
0xd9: {  	_ =	strace $0x90000047  }
0xda: {  	s0 =	stileid.u32;
	[bflag:$0x2] =	sbarrier.arrive $0xFFFF  }
0xdb: {  	p0 =	sne.s32 s0, $0x0;
	s0 =	rddreg [dreg:$0x2]  }
0xdc: {  	s0 =	sadd.s32 @!p0 $0x100000, s0  }
0xdd: {  	[sflag:s0] =	ssyncadd.tile.s32 @!p0 $0x1;
	_ =	shalt  }
.Lfunc_end2:
_tile_overlayer_lowered:
.L_overlay_start_2:
0xde: {  	(tag) =	ssettag $0x2  }
0xdf: {  	s0 =	rddreg [dreg:$0x0];
	s2 =	stileid.u32  }
0xe0: {  	s1 =	rddreg [dreg:$0x1];
	p0 =	sne.s32 s2, $0x0  }
0xe1: {  	s3 =	rddreg [dreg:$0x2];
	[bflag:$0x3] =	sbarrier.arrive $0xFFFF;
	s2 =	simm.s32 @!p0 $0x1C03  }
0xe2: {  	[timem:s3], [sflag:s2] =	dma.local @!p0 [hbm:s0], s1  }
0xe3: {  	s0 =	simm.s32 @!p0 $0x3  }
0xe4: {  	_ =	swait.ge @!p0 [sflag:s0], s1  }
0xe5: {  	s1 =	ssub.s32 @!p0 $0x0, s1;
	[sflag:s0] =	ssyncset.done @!p0 $0x0  }
0xe6: {  	[sflag:s0] =	ssyncadd.s32 @!p0 s1  }
0xe7: {  	[bflag:$0x3] =	sbarrier.arrive $0xFFFF  }
0xe8: {  	_ =	shalt  }

</sc_bundles>
